<compile_context>
chip_gen: v7x
topology: tpu7x:2x2x1
jax: 0.10.2.dev20260603
libtpu: 0.0.44.dev20260713+nightly
codegen_flags: <defaults>
</compile_context>

<pallas_src>
import functools

import jax
import jax.numpy as jnp
from jax import lax
from jax.experimental import pallas as pl
from jax.experimental.pallas import tpu as pltpu
from jax.experimental.pallas import tpu_sc as plsc

N_NODES = 10000
N_EDGES = 320000
D = 128

NC = 2
NS = 16
NW = NC * NS
L = 16

GR = 1
GROUP = GR * 128
GPW = 80
E_PAD = NW * GPW * GROUP
DUMP_ROW = N_NODES
AGG_ROWS = 10240
ROWS_PER_TILE = AGG_ROWS // NS


def _make_sc_agg():
    mesh = plsc.VectorSubcoreMesh(core_axis_name="c", subcore_axis_name="s")

    @functools.partial(
        pl.kernel,
        mesh=mesh,
        out_type=jax.ShapeDtypeStruct((NC, AGG_ROWS, D), jnp.float32),
        scratch_types=[
            pltpu.VMEM((GPW * GROUP,), jnp.int32),
            pltpu.VMEM((GPW * GROUP,), jnp.int32),
            pltpu.VMEM((GROUP, D), jnp.float32),
            pltpu.VMEM_SHARED((AGG_ROWS, D), jnp.float32),
            pltpu.SemaphoreType.DMA,
        ],
    )
    def sc_agg(h_hbm, src_hbm, dst_hbm, out_hbm, src_v, dst_v, rows_v, agg_sh, sem):
        c = lax.axis_index("c")
        s = lax.axis_index("s")
        wid = c * NS + s

        zvec = jnp.zeros((L,), jnp.float32)

        def zero_body(r, carry):
            for k in range(D // L):
                rows_v[r, pl.ds(k * L, L)] = zvec
            return carry

        lax.fori_loop(0, GROUP, zero_body, 0)
        base = s * ROWS_PER_TILE
        pltpu.sync_copy(rows_v, agg_sh.at[pl.ds(base, GROUP)])
        pltpu.sync_copy(rows_v.at[pl.ds(0, ROWS_PER_TILE - GROUP)],
                        agg_sh.at[pl.ds(base + GROUP, ROWS_PER_TILE - GROUP)])
        plsc.subcore_barrier()

        pltpu.sync_copy(src_hbm.at[wid], src_v)
        pltpu.sync_copy(dst_hbm.at[wid], dst_v)

        def group_body(j, carry):
            pltpu.async_copy(h_hbm.at[src_v.at[pl.ds(j * GROUP, GROUP)]], rows_v, sem).wait()
            pltpu.sync_copy(rows_v, agg_sh.at[dst_v.at[pl.ds(j * GROUP, GROUP)]], add=True)
            return carry

        lax.fori_loop(0, GPW, group_body, 0)
        plsc.subcore_barrier()

        pltpu.sync_copy(agg_sh.at[pl.ds(base, ROWS_PER_TILE)],
                        out_hbm.at[c, pl.ds(base, ROWS_PER_TILE)])

    return sc_agg


def _tc_layer(h, agg, W, b, eps, act):
    BLK = 1000

    def body(eps_ref, h_ref, agg_ref, W_ref, b_ref, o_ref):
        y = h_ref[...] * (1.0 + eps_ref[0]) + agg_ref[0] + agg_ref[1]
        z = jnp.dot(y, W_ref[...], preferred_element_type=jnp.float32) + b_ref[...]
        if act == "relu":
            z = jnp.maximum(z, 0.0)
        elif act == "log_softmax":
            m = jnp.max(z, axis=-1, keepdims=True)
            z = z - m
            z = z - jnp.log(jnp.sum(jnp.exp(z), axis=-1, keepdims=True))
        o_ref[...] = z

    return pl.pallas_call(
        body,
        grid=(N_NODES // BLK,),
        in_specs=[
            pl.BlockSpec(memory_space=pltpu.SMEM),
            pl.BlockSpec((BLK, D), lambda i: (i, 0)),
            pl.BlockSpec((2, BLK, D), lambda i: (0, i, 0)),
            pl.BlockSpec((D, D), lambda i: (0, 0)),
            pl.BlockSpec((1, D), lambda i: (0, 0)),
        ],
        out_specs=pl.BlockSpec((BLK, D), lambda i: (i, 0)),
        out_shape=jax.ShapeDtypeStruct((N_NODES, D), jnp.float32),
    )(jnp.reshape(eps, (1,)), h, agg, W, jnp.reshape(b, (1, D)))


def kernel(x, edge_index, eps1, W1, b1, eps2, W2, b2, eps3, W3, b3):
    src = edge_index[0].astype(jnp.int32)
    dst = edge_index[1].astype(jnp.int32)
    pad = E_PAD - N_EDGES
    srcp = jnp.concatenate([src, jnp.zeros((pad,), jnp.int32)]).reshape(NW, GPW * GROUP)
    dstp = jnp.concatenate([dst, jnp.full((pad,), DUMP_ROW, jnp.int32)]).reshape(NW, GPW * GROUP)

    sc_agg = _make_sc_agg()

    h = x
    for eps, W, b, act in ((eps1, W1, b1, "relu"),
                           (eps2, W2, b2, "relu"),
                           (eps3, W3, b3, "log_softmax")):
        agg = sc_agg(h, srcp, dstp)
        h = _tc_layer(h, agg, W, b, eps, act)
    return h

# --- scband reference (transcript-rebuilt; emitter-appended) ---
"""Pipeline reference for scband-gin-24627342475781 (READ-ONLY COPY).

The authoritative reference and input builder live on the scoring server;
editing this copy changes nothing except your own understanding.
"""

import jax, jax.numpy as jnp
import numpy as np

N_NODES = 10000
N_EDGES = 320000
D_IN = 128
D_HID = 128
D_OUT = 128


def setup_inputs(seed: int = 0) -> dict:
    key = jax.random.key(seed)
    ks = jax.random.split(key, 10)
    x = jax.random.normal(ks[0], (N_NODES, D_IN), dtype=jnp.float32)
    edge_index = jax.random.randint(ks[1], (2, N_EDGES), 0, N_NODES, dtype=jnp.int64)
    # Learned parameters: 3 GINConv layers, each with a Linear (stored as [in, out]) and a learned eps (train_eps=True, init 0)
    W1 = jax.random.normal(ks[2], (D_IN, D_HID), dtype=jnp.float32) * (1.0 / np.sqrt(D_IN))
    b1 = jnp.zeros((D_HID,), dtype=jnp.float32)
    W2 = jax.random.normal(ks[3], (D_HID, D_HID), dtype=jnp.float32) * (1.0 / np.sqrt(D_HID))
    b2 = jnp.zeros((D_HID,), dtype=jnp.float32)
    W3 = jax.random.normal(ks[4], (D_HID, D_OUT), dtype=jnp.float32) * (1.0 / np.sqrt(D_HID))
    b3 = jnp.zeros((D_OUT,), dtype=jnp.float32)
    eps1 = jnp.zeros((), dtype=jnp.float32)
    eps2 = jnp.zeros((), dtype=jnp.float32)
    eps3 = jnp.zeros((), dtype=jnp.float32)
    return {"x": x, "edge_index": edge_index,
            "eps1": eps1, "W1": W1, "b1": b1,
            "eps2": eps2, "W2": W2, "b2": b2,
            "eps3": eps3, "W3": W3, "b3": b3}


def _gin_conv(x, src, dst, eps, W, b):
    # sum-aggregate messages from src neighbors into dst nodes (scatter-add)
    agg = jax.ops.segment_sum(x[src], dst, num_segments=N_NODES)
    h = (1.0 + eps) * x + agg
    return h @ W + b


def reference(x, edge_index, eps1, W1, b1, eps2, W2, b2, eps3, W3, b3):
    src = edge_index[0]
    dst = edge_index[1]
    # layer 1 (+ ReLU; dropout inactive in eval mode)
    h = _gin_conv(x, src, dst, eps1, W1, b1)
    h = jax.nn.relu(h)
    # layer 2
    h = _gin_conv(h, src, dst, eps2, W2, b2)
    h = jax.nn.relu(h)
    # layer 3 (no activation), then log_softmax
    h = _gin_conv(h, src, dst, eps3, W3, b3)
    return jax.nn.log_softmax(h, axis=-1)

if __name__ == "__main__":
    import jax
    _d = setup_inputs()
    print(jax.jit(kernel)(*tuple(_d.values())))

</pallas_src>

<mosaic_0001>
#map = affine_map<(d0, d1) -> (0, 0)>
#map1 = affine_map<(d0, d1) -> (0, 0, 0)>
module attributes {stable_mosaic.version = 14 : i64} {
  func.func @sc_agg(%arg0: i32, %arg1: i32, %arg2: memref<10000x128xf32, #tpu.memory_space<hbm>>, %arg3: memref<32x10240xi32, #tpu.memory_space<hbm>>, %arg4: memref<32x10240xi32, #tpu.memory_space<hbm>>, %arg5: memref<2x10240x128xf32, #tpu.memory_space<hbm>>, %arg6: memref<10240xi32, #tpu.memory_space<vmem>>, %arg7: memref<10240xi32, #tpu.memory_space<vmem>>, %arg8: memref<128x128xf32, #tpu.memory_space<vmem>>, %arg9: memref<10240x128xf32, #tpu.memory_space<vmem_shared>>, %arg10: memref<!tpu.dma_semaphore, #tpu.memory_space<semaphore_mem>>) attributes {dimension_semantics = [#tpu.dimension_semantics<core_parallel>, #tpu.dimension_semantics<subcore_parallel>], iteration_bounds = array<i64: 2, 16>, scalar_prefetch = 0 : i64, scratch_operands = 5 : i64, tpu.core_type = #tpu.core_type<sc_vector_subcore>, window_params = [{transform_indices = #map}, {transform_indices = #map}, {transform_indices = #map}, {transform_indices = #map1}]} {
    %mul3A = arith.constant 16 : i32
    %mul3A_0 = arith.muli %arg0, %mul3A : i32
    %add3A = arith.addi %mul3A_0, %arg1 : i32
    %broadcast_in_dim3A = arith.constant 0.000000e+00 : f32
    %broadcast_in_dim3A_1 = vector.broadcast %broadcast_in_dim3A : f32 to vector<16xf32>
    %scan3A = arith.constant 0 : i32
    %scan3A_2 = arith.constant 0 : i32
    %scan3A_3 = arith.constant 128 : i32
    %scan3A_4 = arith.addi %scan3A_2, %scan3A_3 : i32
    %scan3A_5 = arith.constant 1 : i32
    scf.for %scan3A_18 = %scan3A_2 to %scan3A_4 step %scan3A_5  : i32 {
      %swap3A = arith.index_cast %scan3A_18 : i32 to index
      %swap3A_19 = arith.constant 0 : index
      %swap3A_20 = tpu.vector_load %arg8[%swap3A, %swap3A_19] {strides = array<i32>} : memref<128x128xf32, #tpu.memory_space<vmem>>, vector<1x16xf32>,
      %swap3A_21 = vector.shape_cast %swap3A_20 : vector<1x16xf32> to vector<16xf32>
      %swap3A_22 = vector.shape_cast %broadcast_in_dim3A_1 : vector<16xf32> to vector<1x16xf32>
      tpu.vector_store %arg8[%swap3A, %swap3A_19], %swap3A_22 {strides = array<i32>} : memref<128x128xf32, #tpu.memory_space<vmem>>, vector<1x16xf32>,
      %swap3A_23 = arith.index_cast %scan3A_18 : i32 to index
      %swap3A_24 = arith.constant 16 : index
      %swap3A_25 = tpu.vector_load %arg8[%swap3A_23, %swap3A_24] {strides = array<i32>} : memref<128x128xf32, #tpu.memory_space<vmem>>, vector<1x16xf32>,
      %swap3A_26 = vector.shape_cast %swap3A_25 : vector<1x16xf32> to vector<16xf32>
      %swap3A_27 = vector.shape_cast %broadcast_in_dim3A_1 : vector<16xf32> to vector<1x16xf32>
      tpu.vector_store %arg8[%swap3A_23, %swap3A_24], %swap3A_27 {strides = array<i32>} : memref<128x128xf32, #tpu.memory_space<vmem>>, vector<1x16xf32>,
      %swap3A_28 = arith.index_cast %scan3A_18 : i32 to index
      %swap3A_29 = arith.constant 32 : index
      %swap3A_30 = tpu.vector_load %arg8[%swap3A_28, %swap3A_29] {strides = array<i32>} : memref<128x128xf32, #tpu.memory_space<vmem>>, vector<1x16xf32>,
      %swap3A_31 = vector.shape_cast %swap3A_30 : vector<1x16xf32> to vector<16xf32>
      %swap3A_32 = vector.shape_cast %broadcast_in_dim3A_1 : vector<16xf32> to vector<1x16xf32>
      tpu.vector_store %arg8[%swap3A_28, %swap3A_29], %swap3A_32 {strides = array<i32>} : memref<128x128xf32, #tpu.memory_space<vmem>>, vector<1x16xf32>,
      %swap3A_33 = arith.index_cast %scan3A_18 : i32 to index
      %swap3A_34 = arith.constant 48 : index
      %swap3A_35 = tpu.vector_load %arg8[%swap3A_33, %swap3A_34] {strides = array<i32>} : memref<128x128xf32, #tpu.memory_space<vmem>>, vector<1x16xf32>,
      %swap3A_36 = vector.shape_cast %swap3A_35 : vector<1x16xf32> to vector<16xf32>
      %swap3A_37 = vector.shape_cast %broadcast_in_dim3A_1 : vector<16xf32> to vector<1x16xf32>
      tpu.vector_store %arg8[%swap3A_33, %swap3A_34], %swap3A_37 {strides = array<i32>} : memref<128x128xf32, #tpu.memory_space<vmem>>, vector<1x16xf32>,
      %swap3A_38 = arith.index_cast %scan3A_18 : i32 to index
      %swap3A_39 = arith.constant 64 : index
      %swap3A_40 = tpu.vector_load %arg8[%swap3A_38, %swap3A_39] {strides = array<i32>} : memref<128x128xf32, #tpu.memory_space<vmem>>, vector<1x16xf32>,
      %swap3A_41 = vector.shape_cast %swap3A_40 : vector<1x16xf32> to vector<16xf32>
      %swap3A_42 = vector.shape_cast %broadcast_in_dim3A_1 : vector<16xf32> to vector<1x16xf32>
      tpu.vector_store %arg8[%swap3A_38, %swap3A_39], %swap3A_42 {strides = array<i32>} : memref<128x128xf32, #tpu.memory_space<vmem>>, vector<1x16xf32>,
      %swap3A_43 = arith.index_cast %scan3A_18 : i32 to index
      %swap3A_44 = arith.constant 80 : index
      %swap3A_45 = tpu.vector_load %arg8[%swap3A_43, %swap3A_44] {strides = array<i32>} : memref<128x128xf32, #tpu.memory_space<vmem>>, vector<1x16xf32>,
      %swap3A_46 = vector.shape_cast %swap3A_45 : vector<1x16xf32> to vector<16xf32>
      %swap3A_47 = vector.shape_cast %broadcast_in_dim3A_1 : vector<16xf32> to vector<1x16xf32>
      tpu.vector_store %arg8[%swap3A_43, %swap3A_44], %swap3A_47 {strides = array<i32>} : memref<128x128xf32, #tpu.memory_space<vmem>>, vector<1x16xf32>,
      %swap3A_48 = arith.index_cast %scan3A_18 : i32 to index
      %swap3A_49 = arith.constant 96 : index
      %swap3A_50 = tpu.vector_load %arg8[%swap3A_48, %swap3A_49] {strides = array<i32>} : memref<128x128xf32, #tpu.memory_space<vmem>>, vector<1x16xf32>,
      %swap3A_51 = vector.shape_cast %swap3A_50 : vector<1x16xf32> to vector<16xf32>
      %swap3A_52 = vector.shape_cast %broadcast_in_dim3A_1 : vector<16xf32> to vector<1x16xf32>
      tpu.vector_store %arg8[%swap3A_48, %swap3A_49], %swap3A_52 {strides = array<i32>} : memref<128x128xf32, #tpu.memory_space<vmem>>, vector<1x16xf32>,
      %swap3A_53 = arith.index_cast %scan3A_18 : i32 to index
      %swap3A_54 = arith.constant 112 : index
      %swap3A_55 = tpu.vector_load %arg8[%swap3A_53, %swap3A_54] {strides = array<i32>} : memref<128x128xf32, #tpu.memory_space<vmem>>, vector<1x16xf32>,
      %swap3A_56 = vector.shape_cast %swap3A_55 : vector<1x16xf32> to vector<16xf32>
      %swap3A_57 = vector.shape_cast %broadcast_in_dim3A_1 : vector<16xf32> to vector<1x16xf32>
      tpu.vector_store %arg8[%swap3A_53, %swap3A_54], %swap3A_57 {strides = array<i32>} : memref<128x128xf32, #tpu.memory_space<vmem>>, vector<1x16xf32>,
    }
    %scan3A_6 = arith.constant 128 : i32
    %mul3A_7 = arith.constant 640 : i32
    %mul3A_8 = arith.muli %arg1, %mul3A_7 : i32
    "tpu.region"() ({
      %run_scoped3A = tpu.sem_alloc : memref<!tpu.dma_semaphore, #tpu.memory_space<semaphore_mem>>
      %dma_start3A = arith.constant 0 : i32
      %dma_start3A_18 = tpu.memref_slice %arg9[%mul3A_8, %dma_start3A] : memref<10240x128xf32, #tpu.memory_space<vmem_shared>> -> memref<128x128xf32, #tpu.memory_space<vmem_shared>>
      %dma_start3A_19 = arith.constant 0 : i32
      %dma_start3A_20 = tpu.memref_slice %arg9[%mul3A_8, %dma_start3A_19] : memref<10240x128xf32, #tpu.memory_space<vmem_shared>> -> memref<128x128xf32, #tpu.memory_space<vmem_shared>>
      tpu.enqueue_dma source(%arg8 : memref<128x128xf32, #tpu.memory_space<vmem>>) target(%dma_start3A_20 : memref<128x128xf32, #tpu.memory_space<vmem_shared>>) target_semaphore(%run_scoped3A : memref<!tpu.dma_semaphore, #tpu.memory_space<semaphore_mem>>)
      %dma_wait3A = arith.constant 0 : i32
      %dma_wait3A_21 = tpu.memref_slice %arg9[%mul3A_8, %dma_wait3A] : memref<10240x128xf32, #tpu.memory_space<vmem_shared>> -> memref<128x128xf32, #tpu.memory_space<vmem_shared>>
      %dma_wait3A_22 = arith.constant 0 : i32
      %dma_wait3A_23 = tpu.memref_slice %arg9[%mul3A_8, %dma_wait3A_22] : memref<10240x128xf32, #tpu.memory_space<vmem_shared>> -> memref<128x128xf32, #tpu.memory_space<vmem_shared>>
      tpu.wait_dma2 semaphore(%run_scoped3A : memref<!tpu.dma_semaphore, #tpu.memory_space<semaphore_mem>>) src(%arg8 : memref<128x128xf32, #tpu.memory_space<vmem>>) dst(%dma_wait3A_23 : memref<128x128xf32, #tpu.memory_space<vmem_shared>>)
      tpu.yield
    }) : () -> ()
    %add3A_9 = arith.constant 128 : i32
    %add3A_10 = arith.addi %mul3A_8, %add3A_9 : i32
    "tpu.region"() ({
      %run_scoped3A = tpu.sem_alloc : memref<!tpu.dma_semaphore, #tpu.memory_space<semaphore_mem>>
      %dma_start3A = arith.constant 0 : i32
      %dma_start3A_18 = arith.constant 0 : i32
      %dma_start3A_19 = tpu.memref_slice %arg8[%dma_start3A, %dma_start3A_18] : memref<128x128xf32, #tpu.memory_space<vmem>> -> memref<512x128xf32, #tpu.memory_space<vmem>>
      %dma_start3A_20 = arith.constant 0 : i32
      %dma_start3A_21 = tpu.memref_slice %arg9[%add3A_10, %dma_start3A_20] : memref<10240x128xf32, #tpu.memory_space<vmem_shared>> -> memref<512x128xf32, #tpu.memory_space<vmem_shared>>
      %dma_start3A_22 = arith.constant 0 : i32
      %dma_start3A_23 = tpu.memref_slice %arg9[%add3A_10, %dma_start3A_22] : memref<10240x128xf32, #tpu.memory_space<vmem_shared>> -> memref<512x128xf32, #tpu.memory_space<vmem_shared>>
      %dma_start3A_24 = arith.constant 0 : i32
      %dma_start3A_25 = arith.constant 0 : i32
      %dma_start3A_26 = tpu.memref_slice %arg8[%dma_start3A_24, %dma_start3A_25] : memref<128x128xf32, #tpu.memory_space<vmem>> -> memref<512x128xf32, #tpu.memory_space<vmem>>
      tpu.enqueue_dma source(%dma_start3A_26 : memref<512x128xf32, #tpu.memory_space<vmem>>) target(%dma_start3A_23 : memref<512x128xf32, #tpu.memory_space<vmem_shared>>) target_semaphore(%run_scoped3A : memref<!tpu.dma_semaphore, #tpu.memory_space<semaphore_mem>>)
      %dma_wait3A = arith.constant 0 : i32
      %dma_wait3A_27 = arith.constant 0 : i32
      %dma_wait3A_28 = tpu.memref_slice %arg8[%dma_wait3A, %dma_wait3A_27] : memref<128x128xf32, #tpu.memory_space<vmem>> -> memref<512x128xf32, #tpu.memory_space<vmem>>
      %dma_wait3A_29 = arith.constant 0 : i32
      %dma_wait3A_30 = tpu.memref_slice %arg9[%add3A_10, %dma_wait3A_29] : memref<10240x128xf32, #tpu.memory_space<vmem_shared>> -> memref<512x128xf32, #tpu.memory_space<vmem_shared>>
      %dma_wait3A_31 = arith.constant 0 : i32
      %dma_wait3A_32 = tpu.memref_slice %arg9[%add3A_10, %dma_wait3A_31] : memref<10240x128xf32, #tpu.memory_space<vmem_shared>> -> memref<512x128xf32, #tpu.memory_space<vmem_shared>>
      %dma_wait3A_33 = arith.constant 0 : i32
      %dma_wait3A_34 = arith.constant 0 : i32
      %dma_wait3A_35 = tpu.memref_slice %arg8[%dma_wait3A_33, %dma_wait3A_34] : memref<128x128xf32, #tpu.memory_space<vmem>> -> memref<512x128xf32, #tpu.memory_space<vmem>>
      tpu.wait_dma2 semaphore(%run_scoped3A : memref<!tpu.dma_semaphore, #tpu.memory_space<semaphore_mem>>) src(%dma_wait3A_35 : memref<512x128xf32, #tpu.memory_space<vmem>>) dst(%dma_wait3A_32 : memref<512x128xf32, #tpu.memory_space<vmem_shared>>)
      tpu.yield
    }) : () -> ()
    %barrier3A = arith.constant 0 : index
    tpu.barrier barrier_id(%barrier3A)
    "tpu.region"() ({
      %run_scoped3A = tpu.sem_alloc : memref<!tpu.dma_semaphore, #tpu.memory_space<semaphore_mem>>
      %dma_start3A = arith.constant 0 : i32
      %dma_start3A_18 = tpu.memref_slice %arg3[%add3A, %dma_start3A] : memref<32x10240xi32, #tpu.memory_space<hbm>> -> memref<1x10240xi32, #tpu.memory_space<hbm>>
      %dma_start3A_19 = tpu.memref_squeeze %dma_start3A_18 : memref<1x10240xi32, #tpu.memory_space<hbm>> -> memref<10240xi32, #tpu.memory_space<hbm>>
      %dma_start3A_20 = arith.constant 0 : i32
      %dma_start3A_21 = tpu.memref_slice %arg3[%add3A, %dma_start3A_20] : memref<32x10240xi32, #tpu.memory_space<hbm>> -> memref<1x10240xi32, #tpu.memory_space<hbm>>
      %dma_start3A_22 = tpu.memref_squeeze %dma_start3A_21 : memref<1x10240xi32, #tpu.memory_space<hbm>> -> memref<10240xi32, #tpu.memory_space<hbm>>
      tpu.enqueue_dma source(%dma_start3A_22 : memref<10240xi32, #tpu.memory_space<hbm>>) target(%arg6 : memref<10240xi32, #tpu.memory_space<vmem>>) target_semaphore(%run_scoped3A : memref<!tpu.dma_semaphore, #tpu.memory_space<semaphore_mem>>)
      %dma_wait3A = arith.constant 0 : i32
      %dma_wait3A_23 = tpu.memref_slice %arg3[%add3A, %dma_wait3A] : memref<32x10240xi32, #tpu.memory_space<hbm>> -> memref<1x10240xi32, #tpu.memory_space<hbm>>
      %dma_wait3A_24 = tpu.memref_squeeze %dma_wait3A_23 : memref<1x10240xi32, #tpu.memory_space<hbm>> -> memref<10240xi32, #tpu.memory_space<hbm>>
      %dma_wait3A_25 = arith.constant 0 : i32
      %dma_wait3A_26 = tpu.memref_slice %arg3[%add3A, %dma_wait3A_25] : memref<32x10240xi32, #tpu.memory_space<hbm>> -> memref<1x10240xi32, #tpu.memory_space<hbm>>
      %dma_wait3A_27 = tpu.memref_squeeze %dma_wait3A_26 : memref<1x10240xi32, #tpu.memory_space<hbm>> -> memref<10240xi32, #tpu.memory_space<hbm>>
      tpu.wait_dma2 semaphore(%run_scoped3A : memref<!tpu.dma_semaphore, #tpu.memory_space<semaphore_mem>>) src(%dma_wait3A_27 : memref<10240xi32, #tpu.memory_space<hbm>>) dst(%arg6 : memref<10240xi32, #tpu.memory_space<vmem>>)
      tpu.yield
    }) : () -> ()
    "tpu.region"() ({
      %run_scoped3A = tpu.sem_alloc : memref<!tpu.dma_semaphore, #tpu.memory_space<semaphore_mem>>
      %dma_start3A = arith.constant 0 : i32
      %dma_start3A_18 = tpu.memref_slice %arg4[%add3A, %dma_start3A] : memref<32x10240xi32, #tpu.memory_space<hbm>> -> memref<1x10240xi32, #tpu.memory_space<hbm>>
      %dma_start3A_19 = tpu.memref_squeeze %dma_start3A_18 : memref<1x10240xi32, #tpu.memory_space<hbm>> -> memref<10240xi32, #tpu.memory_space<hbm>>
      %dma_start3A_20 = arith.constant 0 : i32
      %dma_start3A_21 = tpu.memref_slice %arg4[%add3A, %dma_start3A_20] : memref<32x10240xi32, #tpu.memory_space<hbm>> -> memref<1x10240xi32, #tpu.memory_space<hbm>>
      %dma_start3A_22 = tpu.memref_squeeze %dma_start3A_21 : memref<1x10240xi32, #tpu.memory_space<hbm>> -> memref<10240xi32, #tpu.memory_space<hbm>>
      tpu.enqueue_dma source(%dma_start3A_22 : memref<10240xi32, #tpu.memory_space<hbm>>) target(%arg7 : memref<10240xi32, #tpu.memory_space<vmem>>) target_semaphore(%run_scoped3A : memref<!tpu.dma_semaphore, #tpu.memory_space<semaphore_mem>>)
      %dma_wait3A = arith.constant 0 : i32
      %dma_wait3A_23 = tpu.memref_slice %arg4[%add3A, %dma_wait3A] : memref<32x10240xi32, #tpu.memory_space<hbm>> -> memref<1x10240xi32, #tpu.memory_space<hbm>>
      %dma_wait3A_24 = tpu.memref_squeeze %dma_wait3A_23 : memref<1x10240xi32, #tpu.memory_space<hbm>> -> memref<10240xi32, #tpu.memory_space<hbm>>
      %dma_wait3A_25 = arith.constant 0 : i32
      %dma_wait3A_26 = tpu.memref_slice %arg4[%add3A, %dma_wait3A_25] : memref<32x10240xi32, #tpu.memory_space<hbm>> -> memref<1x10240xi32, #tpu.memory_space<hbm>>
      %dma_wait3A_27 = tpu.memref_squeeze %dma_wait3A_26 : memref<1x10240xi32, #tpu.memory_space<hbm>> -> memref<10240xi32, #tpu.memory_space<hbm>>
      tpu.wait_dma2 semaphore(%run_scoped3A : memref<!tpu.dma_semaphore, #tpu.memory_space<semaphore_mem>>) src(%dma_wait3A_27 : memref<10240xi32, #tpu.memory_space<hbm>>) dst(%arg7 : memref<10240xi32, #tpu.memory_space<vmem>>)
      tpu.yield
    }) : () -> ()
    %scan3A_11 = arith.constant 0 : i32
    %scan3A_12 = arith.constant 0 : i32
    %scan3A_13 = arith.constant 80 : i32
    %scan3A_14 = arith.addi %scan3A_12, %scan3A_13 : i32
    %scan3A_15 = arith.constant 1 : i32
    scf.for %scan3A_18 = %scan3A_12 to %scan3A_14 step %scan3A_15  : i32 {
      %mul3A_19 = arith.constant 128 : i32
      %mul3A_20 = arith.muli %scan3A_18, %mul3A_19 : i32
      %dma_start3A = tpu.memref_slice %arg6[%mul3A_20] : memref<10240xi32, #tpu.memory_space<vmem>> -> memref<128xi32, #tpu.memory_space<vmem>>
      %dma_start3A_21 = arith.constant 0 : i32
      %dma_start3A_22 = arith.constant 0 : i32
      %dma_start3A_23 = tpu.memref_slice %arg2[%dma_start3A_21, %dma_start3A_22] : memref<10000x128xf32, #tpu.memory_space<hbm>> -> memref<10000x128xf32, #tpu.memory_space<hbm>>
      tpu.enqueue_indirect_dma source(%dma_start3A_23 : memref<10000x128xf32, #tpu.memory_space<hbm>>) target(%arg8 : memref<128x128xf32, #tpu.memory_space<vmem>>) offsets(%dma_start3A : memref<128xi32, #tpu.memory_space<vmem>>) semaphore(%arg10 : memref<!tpu.dma_semaphore, #tpu.memory_space<semaphore_mem>>)
      %dma_wait3A = tpu.memref_slice %arg6[%mul3A_20] : memref<10240xi32, #tpu.memory_space<vmem>> -> memref<128xi32, #tpu.memory_space<vmem>>
      %dma_wait3A_24 = arith.constant 0 : i32
      %dma_wait3A_25 = arith.constant 0 : i32
      %dma_wait3A_26 = tpu.memref_slice %arg2[%dma_wait3A_24, %dma_wait3A_25] : memref<10000x128xf32, #tpu.memory_space<hbm>> -> memref<10000x128xf32, #tpu.memory_space<hbm>>
      tpu.wait_indirect_dma semaphore(%arg10 : memref<!tpu.dma_semaphore, #tpu.memory_space<semaphore_mem>>) src(%dma_wait3A_26 : memref<10000x128xf32, #tpu.memory_space<hbm>>) dst(%arg8 : memref<128x128xf32, #tpu.memory_space<vmem>>)
      %mul3A_27 = arith.constant 128 : i32
      %mul3A_28 = arith.muli %scan3A_18, %mul3A_27 : i32
      "tpu.region"() ({
        %run_scoped3A = tpu.sem_alloc : memref<!tpu.dma_semaphore, #tpu.memory_space<semaphore_mem>>
        %dma_start3A_29 = tpu.memref_slice %arg7[%mul3A_28] : memref<10240xi32, #tpu.memory_space<vmem>> -> memref<128xi32, #tpu.memory_space<vmem>>
        %dma_start3A_30 = arith.constant 0 : i32
        %dma_start3A_31 = arith.constant 0 : i32
        %dma_start3A_32 = tpu.memref_slice %arg9[%dma_start3A_30, %dma_start3A_31] : memref<10240x128xf32, #tpu.memory_space<vmem_shared>> -> memref<10240x128xf32, #tpu.memory_space<vmem_shared>>
        tpu.enqueue_indirect_dma source(%arg8 : memref<128x128xf32, #tpu.memory_space<vmem>>) target(%dma_start3A_32 : memref<10240x128xf32, #tpu.memory_space<vmem_shared>>) offsets(%dma_start3A_29 : memref<128xi32, #tpu.memory_space<vmem>>) semaphore(%run_scoped3A : memref<!tpu.dma_semaphore, #tpu.memory_space<semaphore_mem>>) {add = true}
        %dma_wait3A_33 = tpu.memref_slice %arg7[%mul3A_28] : memref<10240xi32, #tpu.memory_space<vmem>> -> memref<128xi32, #tpu.memory_space<vmem>>
        %dma_wait3A_34 = arith.constant 0 : i32
        %dma_wait3A_35 = arith.constant 0 : i32
        %dma_wait3A_36 = tpu.memref_slice %arg9[%dma_wait3A_34, %dma_wait3A_35] : memref<10240x128xf32, #tpu.memory_space<vmem_shared>> -> memref<10240x128xf32, #tpu.memory_space<vmem_shared>>
        tpu.wait_indirect_dma semaphore(%run_scoped3A : memref<!tpu.dma_semaphore, #tpu.memory_space<semaphore_mem>>) src(%arg8 : memref<128x128xf32, #tpu.memory_space<vmem>>) dst(%dma_wait3A_36 : memref<10240x128xf32, #tpu.memory_space<vmem_shared>>)
        tpu.yield
      }) : () -> ()
    }
    %scan3A_16 = arith.constant 80 : i32
    %barrier3A_17 = arith.constant 0 : index
    tpu.barrier barrier_id(%barrier3A_17)
    "tpu.region"() ({
      %run_scoped3A = tpu.sem_alloc : memref<!tpu.dma_semaphore, #tpu.memory_space<semaphore_mem>>
      %dma_start3A = arith.constant 0 : i32
      %dma_start3A_18 = tpu.memref_slice %arg5[%arg0, %mul3A_8, %dma_start3A] : memref<2x10240x128xf32, #tpu.memory_space<hbm>> -> memref<1x640x128xf32, #tpu.memory_space<hbm>>
      %dma_start3A_19 = tpu.memref_squeeze %dma_start3A_18 : memref<1x640x128xf32, #tpu.memory_space<hbm>> -> memref<640x128xf32, #tpu.memory_space<hbm>>
      %dma_start3A_20 = arith.constant 0 : i32
      %dma_start3A_21 = tpu.memref_slice %arg9[%mul3A_8, %dma_start3A_20] : memref<10240x128xf32, #tpu.memory_space<vmem_shared>> -> memref<640x128xf32, #tpu.memory_space<vmem_shared>>
      tpu.enqueue_dma source(%dma_start3A_21 : memref<640x128xf32, #tpu.memory_space<vmem_shared>>) target(%dma_start3A_19 : memref<640x128xf32, #tpu.memory_space<hbm>>) target_semaphore(%run_scoped3A : memref<!tpu.dma_semaphore, #tpu.memory_space<semaphore_mem>>)
      %dma_wait3A = arith.constant 0 : i32
      %dma_wait3A_22 = tpu.memref_slice %arg5[%arg0, %mul3A_8, %dma_wait3A] : memref<2x10240x128xf32, #tpu.memory_space<hbm>> -> memref<1x640x128xf32, #tpu.memory_space<hbm>>
      %dma_wait3A_23 = tpu.memref_squeeze %dma_wait3A_22 : memref<1x640x128xf32, #tpu.memory_space<hbm>> -> memref<640x128xf32, #tpu.memory_space<hbm>>
      %dma_wait3A_24 = arith.constant 0 : i32
      %dma_wait3A_25 = tpu.memref_slice %arg9[%mul3A_8, %dma_wait3A_24] : memref<10240x128xf32, #tpu.memory_space<vmem_shared>> -> memref<640x128xf32, #tpu.memory_space<vmem_shared>>
      tpu.wait_dma2 semaphore(%run_scoped3A : memref<!tpu.dma_semaphore, #tpu.memory_space<semaphore_mem>>) src(%dma_wait3A_25 : memref<640x128xf32, #tpu.memory_space<vmem_shared>>) dst(%dma_wait3A_23 : memref<640x128xf32, #tpu.memory_space<hbm>>)
      tpu.yield
    }) : () -> ()
    return
  }
}

#map = affine_map<(d0, d1) -> (0, 0)>
#map1 = affine_map<(d0, d1) -> (0, 0, 0)>
module attributes {stable_mosaic.version = 14 : i64} {
  func.func @sc_agg(%arg0: i32, %arg1: i32, %arg2: memref<10000x128xf32, #tpu.memory_space<hbm>>, %arg3: memref<32x10240xi32, #tpu.memory_space<hbm>>, %arg4: memref<32x10240xi32, #tpu.memory_space<hbm>>, %arg5: memref<2x10240x128xf32, #tpu.memory_space<hbm>>, %arg6: memref<10240xi32, #tpu.memory_space<vmem>>, %arg7: memref<10240xi32, #tpu.memory_space<vmem>>, %arg8: memref<128x128xf32, #tpu.memory_space<vmem>>, %arg9: memref<10240x128xf32, #tpu.memory_space<vmem_shared>>, %arg10: memref<!tpu.dma_semaphore, #tpu.memory_space<semaphore_mem>>) attributes {dimension_semantics = [#tpu.dimension_semantics<core_parallel>, #tpu.dimension_semantics<subcore_parallel>], iteration_bounds = array<i64: 2, 16>, scalar_prefetch = 0 : i64, scratch_operands = 5 : i64, tpu.core_type = #tpu.core_type<sc_vector_subcore>, window_params = [{transform_indices = #map}, {transform_indices = #map}, {transform_indices = #map}, {transform_indices = #map1}]} {
    %mul3A = arith.constant 16 : i32
    %mul3A_0 = arith.muli %arg0, %mul3A : i32
    %add3A = arith.addi %mul3A_0, %arg1 : i32
    %broadcast_in_dim3A = arith.constant 0.000000e+00 : f32
    %broadcast_in_dim3A_1 = vector.broadcast %broadcast_in_dim3A : f32 to vector<16xf32>
    %scan3A = arith.constant 0 : i32
    %scan3A_2 = arith.constant 0 : i32
    %scan3A_3 = arith.constant 128 : i32
    %scan3A_4 = arith.addi %scan3A_2, %scan3A_3 : i32
    %scan3A_5 = arith.constant 1 : i32
    scf.for %scan3A_18 = %scan3A_2 to %scan3A_4 step %scan3A_5  : i32 {
      %swap3A = arith.index_cast %scan3A_18 : i32 to index
      %swap3A_19 = arith.constant 0 : index
      %swap3A_20 = tpu.vector_load %arg8[%swap3A, %swap3A_19] {strides = array<i32>} : memref<128x128xf32, #tpu.memory_space<vmem>>, vector<1x16xf32>,
      %swap3A_21 = vector.shape_cast %swap3A_20 : vector<1x16xf32> to vector<16xf32>
      %swap3A_22 = vector.shape_cast %broadcast_in_dim3A_1 : vector<16xf32> to vector<1x16xf32>
      tpu.vector_store %arg8[%swap3A, %swap3A_19], %swap3A_22 {strides = array<i32>} : memref<128x128xf32, #tpu.memory_space<vmem>>, vector<1x16xf32>,
      %swap3A_23 = arith.index_cast %scan3A_18 : i32 to index
      %swap3A_24 = arith.constant 16 : index
      %swap3A_25 = tpu.vector_load %arg8[%swap3A_23, %swap3A_24] {strides = array<i32>} : memref<128x128xf32, #tpu.memory_space<vmem>>, vector<1x16xf32>,
      %swap3A_26 = vector.shape_cast %swap3A_25 : vector<1x16xf32> to vector<16xf32>
      %swap3A_27 = vector.shape_cast %broadcast_in_dim3A_1 : vector<16xf32> to vector<1x16xf32>
      tpu.vector_store %arg8[%swap3A_23, %swap3A_24], %swap3A_27 {strides = array<i32>} : memref<128x128xf32, #tpu.memory_space<vmem>>, vector<1x16xf32>,
      %swap3A_28 = arith.index_cast %scan3A_18 : i32 to index
      %swap3A_29 = arith.constant 32 : index
      %swap3A_30 = tpu.vector_load %arg8[%swap3A_28, %swap3A_29] {strides = array<i32>} : memref<128x128xf32, #tpu.memory_space<vmem>>, vector<1x16xf32>,
      %swap3A_31 = vector.shape_cast %swap3A_30 : vector<1x16xf32> to vector<16xf32>
      %swap3A_32 = vector.shape_cast %broadcast_in_dim3A_1 : vector<16xf32> to vector<1x16xf32>
      tpu.vector_store %arg8[%swap3A_28, %swap3A_29], %swap3A_32 {strides = array<i32>} : memref<128x128xf32, #tpu.memory_space<vmem>>, vector<1x16xf32>,
      %swap3A_33 = arith.index_cast %scan3A_18 : i32 to index
      %swap3A_34 = arith.constant 48 : index
      %swap3A_35 = tpu.vector_load %arg8[%swap3A_33, %swap3A_34] {strides = array<i32>} : memref<128x128xf32, #tpu.memory_space<vmem>>, vector<1x16xf32>,
      %swap3A_36 = vector.shape_cast %swap3A_35 : vector<1x16xf32> to vector<16xf32>
      %swap3A_37 = vector.shape_cast %broadcast_in_dim3A_1 : vector<16xf32> to vector<1x16xf32>
      tpu.vector_store %arg8[%swap3A_33, %swap3A_34], %swap3A_37 {strides = array<i32>} : memref<128x128xf32, #tpu.memory_space<vmem>>, vector<1x16xf32>,
      %swap3A_38 = arith.index_cast %scan3A_18 : i32 to index
      %swap3A_39 = arith.constant 64 : index
      %swap3A_40 = tpu.vector_load %arg8[%swap3A_38, %swap3A_39] {strides = array<i32>} : memref<128x128xf32, #tpu.memory_space<vmem>>, vector<1x16xf32>,
      %swap3A_41 = vector.shape_cast %swap3A_40 : vector<1x16xf32> to vector<16xf32>
      %swap3A_42 = vector.shape_cast %broadcast_in_dim3A_1 : vector<16xf32> to vector<1x16xf32>
      tpu.vector_store %arg8[%swap3A_38, %swap3A_39], %swap3A_42 {strides = array<i32>} : memref<128x128xf32, #tpu.memory_space<vmem>>, vector<1x16xf32>,
      %swap3A_43 = arith.index_cast %scan3A_18 : i32 to index
      %swap3A_44 = arith.constant 80 : index
      %swap3A_45 = tpu.vector_load %arg8[%swap3A_43, %swap3A_44] {strides = array<i32>} : memref<128x128xf32, #tpu.memory_space<vmem>>, vector<1x16xf32>,
      %swap3A_46 = vector.shape_cast %swap3A_45 : vector<1x16xf32> to vector<16xf32>
      %swap3A_47 = vector.shape_cast %broadcast_in_dim3A_1 : vector<16xf32> to vector<1x16xf32>
      tpu.vector_store %arg8[%swap3A_43, %swap3A_44], %swap3A_47 {strides = array<i32>} : memref<128x128xf32, #tpu.memory_space<vmem>>, vector<1x16xf32>,
      %swap3A_48 = arith.index_cast %scan3A_18 : i32 to index
      %swap3A_49 = arith.constant 96 : index
      %swap3A_50 = tpu.vector_load %arg8[%swap3A_48, %swap3A_49] {strides = array<i32>} : memref<128x128xf32, #tpu.memory_space<vmem>>, vector<1x16xf32>,
      %swap3A_51 = vector.shape_cast %swap3A_50 : vector<1x16xf32> to vector<16xf32>
      %swap3A_52 = vector.shape_cast %broadcast_in_dim3A_1 : vector<16xf32> to vector<1x16xf32>
      tpu.vector_store %arg8[%swap3A_48, %swap3A_49], %swap3A_52 {strides = array<i32>} : memref<128x128xf32, #tpu.memory_space<vmem>>, vector<1x16xf32>,
      %swap3A_53 = arith.index_cast %scan3A_18 : i32 to index
      %swap3A_54 = arith.constant 112 : index
      %swap3A_55 = tpu.vector_load %arg8[%swap3A_53, %swap3A_54] {strides = array<i32>} : memref<128x128xf32, #tpu.memory_space<vmem>>, vector<1x16xf32>,
      %swap3A_56 = vector.shape_cast %swap3A_55 : vector<1x16xf32> to vector<16xf32>
      %swap3A_57 = vector.shape_cast %broadcast_in_dim3A_1 : vector<16xf32> to vector<1x16xf32>
      tpu.vector_store %arg8[%swap3A_53, %swap3A_54], %swap3A_57 {strides = array<i32>} : memref<128x128xf32, #tpu.memory_space<vmem>>, vector<1x16xf32>,
    }
    %scan3A_6 = arith.constant 128 : i32
    %mul3A_7 = arith.constant 640 : i32
    %mul3A_8 = arith.muli %arg1, %mul3A_7 : i32
    "tpu.region"() ({
      %run_scoped3A = tpu.sem_alloc : memref<!tpu.dma_semaphore, #tpu.memory_space<semaphore_mem>>
      %dma_start3A = arith.constant 0 : i32
      %dma_start3A_18 = tpu.memref_slice %arg9[%mul3A_8, %dma_start3A] : memref<10240x128xf32, #tpu.memory_space<vmem_shared>> -> memref<128x128xf32, #tpu.memory_space<vmem_shared>>
      %dma_start3A_19 = arith.constant 0 : i32
      %dma_start3A_20 = tpu.memref_slice %arg9[%mul3A_8, %dma_start3A_19] : memref<10240x128xf32, #tpu.memory_space<vmem_shared>> -> memref<128x128xf32, #tpu.memory_space<vmem_shared>>
      tpu.enqueue_dma source(%arg8 : memref<128x128xf32, #tpu.memory_space<vmem>>) target(%dma_start3A_20 : memref<128x128xf32, #tpu.memory_space<vmem_shared>>) target_semaphore(%run_scoped3A : memref<!tpu.dma_semaphore, #tpu.memory_space<semaphore_mem>>)
      %dma_wait3A = arith.constant 0 : i32
      %dma_wait3A_21 = tpu.memref_slice %arg9[%mul3A_8, %dma_wait3A] : memref<10240x128xf32, #tpu.memory_space<vmem_shared>> -> memref<128x128xf32, #tpu.memory_space<vmem_shared>>
      %dma_wait3A_22 = arith.constant 0 : i32
      %dma_wait3A_23 = tpu.memref_slice %arg9[%mul3A_8, %dma_wait3A_22] : memref<10240x128xf32, #tpu.memory_space<vmem_shared>> -> memref<128x128xf32, #tpu.memory_space<vmem_shared>>
      tpu.wait_dma2 semaphore(%run_scoped3A : memref<!tpu.dma_semaphore, #tpu.memory_space<semaphore_mem>>) src(%arg8 : memref<128x128xf32, #tpu.memory_space<vmem>>) dst(%dma_wait3A_23 : memref<128x128xf32, #tpu.memory_space<vmem_shared>>)
      tpu.yield
    }) : () -> ()
    %add3A_9 = arith.constant 128 : i32
    %add3A_10 = arith.addi %mul3A_8, %add3A_9 : i32
    "tpu.region"() ({
      %run_scoped3A = tpu.sem_alloc : memref<!tpu.dma_semaphore, #tpu.memory_space<semaphore_mem>>
      %dma_start3A = arith.constant 0 : i32
      %dma_start3A_18 = arith.constant 0 : i32
      %dma_start3A_19 = tpu.memref_slice %arg8[%dma_start3A, %dma_start3A_18] : memref<128x128xf32, #tpu.memory_space<vmem>> -> memref<512x128xf32, #tpu.memory_space<vmem>>
      %dma_start3A_20 = arith.constant 0 : i32
      %dma_start3A_21 = tpu.memref_slice %arg9[%add3A_10, %dma_start3A_20] : memref<10240x128xf32, #tpu.memory_space<vmem_shared>> -> memref<512x128xf32, #tpu.memory_space<vmem_shared>>
      %dma_start3A_22 = arith.constant 0 : i32
      %dma_start3A_23 = tpu.memref_slice %arg9[%add3A_10, %dma_start3A_22] : memref<10240x128xf32, #tpu.memory_space<vmem_shared>> -> memref<512x128xf32, #tpu.memory_space<vmem_shared>>
      %dma_start3A_24 = arith.constant 0 : i32
      %dma_start3A_25 = arith.constant 0 : i32
      %dma_start3A_26 = tpu.memref_slice %arg8[%dma_start3A_24, %dma_start3A_25] : memref<128x128xf32, #tpu.memory_space<vmem>> -> memref<512x128xf32, #tpu.memory_space<vmem>>
      tpu.enqueue_dma source(%dma_start3A_26 : memref<512x128xf32, #tpu.memory_space<vmem>>) target(%dma_start3A_23 : memref<512x128xf32, #tpu.memory_space<vmem_shared>>) target_semaphore(%run_scoped3A : memref<!tpu.dma_semaphore, #tpu.memory_space<semaphore_mem>>)
      %dma_wait3A = arith.constant 0 : i32
      %dma_wait3A_27 = arith.constant 0 : i32
      %dma_wait3A_28 = tpu.memref_slice %arg8[%dma_wait3A, %dma_wait3A_27] : memref<128x128xf32, #tpu.memory_space<vmem>> -> memref<512x128xf32, #tpu.memory_space<vmem>>
      %dma_wait3A_29 = arith.constant 0 : i32
      %dma_wait3A_30 = tpu.memref_slice %arg9[%add3A_10, %dma_wait3A_29] : memref<10240x128xf32, #tpu.memory_space<vmem_shared>> -> memref<512x128xf32, #tpu.memory_space<vmem_shared>>
      %dma_wait3A_31 = arith.constant 0 : i32
      %dma_wait3A_32 = tpu.memref_slice %arg9[%add3A_10, %dma_wait3A_31] : memref<10240x128xf32, #tpu.memory_space<vmem_shared>> -> memref<512x128xf32, #tpu.memory_space<vmem_shared>>
      %dma_wait3A_33 = arith.constant 0 : i32
      %dma_wait3A_34 = arith.constant 0 : i32
      %dma_wait3A_35 = tpu.memref_slice %arg8[%dma_wait3A_33, %dma_wait3A_34] : memref<128x128xf32, #tpu.memory_space<vmem>> -> memref<512x128xf32, #tpu.memory_space<vmem>>
      tpu.wait_dma2 semaphore(%run_scoped3A : memref<!tpu.dma_semaphore, #tpu.memory_space<semaphore_mem>>) src(%dma_wait3A_35 : memref<512x128xf32, #tpu.memory_space<vmem>>) dst(%dma_wait3A_32 : memref<512x128xf32, #tpu.memory_space<vmem_shared>>)
      tpu.yield
    }) : () -> ()
    %barrier3A = arith.constant 0 : index
    tpu.barrier barrier_id(%barrier3A)
    "tpu.region"() ({
      %run_scoped3A = tpu.sem_alloc : memref<!tpu.dma_semaphore, #tpu.memory_space<semaphore_mem>>
      %dma_start3A = arith.constant 0 : i32
      %dma_start3A_18 = tpu.memref_slice %arg3[%add3A, %dma_start3A] : memref<32x10240xi32, #tpu.memory_space<hbm>> -> memref<1x10240xi32, #tpu.memory_space<hbm>>
      %dma_start3A_19 = tpu.memref_squeeze %dma_start3A_18 : memref<1x10240xi32, #tpu.memory_space<hbm>> -> memref<10240xi32, #tpu.memory_space<hbm>>
      %dma_start3A_20 = arith.constant 0 : i32
      %dma_start3A_21 = tpu.memref_slice %arg3[%add3A, %dma_start3A_20] : memref<32x10240xi32, #tpu.memory_space<hbm>> -> memref<1x10240xi32, #tpu.memory_space<hbm>>
      %dma_start3A_22 = tpu.memref_squeeze %dma_start3A_21 : memref<1x10240xi32, #tpu.memory_space<hbm>> -> memref<10240xi32, #tpu.memory_space<hbm>>
      tpu.enqueue_dma source(%dma_start3A_22 : memref<10240xi32, #tpu.memory_space<hbm>>) target(%arg6 : memref<10240xi32, #tpu.memory_space<vmem>>) target_semaphore(%run_scoped3A : memref<!tpu.dma_semaphore, #tpu.memory_space<semaphore_mem>>)
      %dma_wait3A = arith.constant 0 : i32
      %dma_wait3A_23 = tpu.memref_slice %arg3[%add3A, %dma_wait3A] : memref<32x10240xi32, #tpu.memory_space<hbm>> -> memref<1x10240xi32, #tpu.memory_space<hbm>>
      %dma_wait3A_24 = tpu.memref_squeeze %dma_wait3A_23 : memref<1x10240xi32, #tpu.memory_space<hbm>> -> memref<10240xi32, #tpu.memory_space<hbm>>
      %dma_wait3A_25 = arith.constant 0 : i32
      %dma_wait3A_26 = tpu.memref_slice %arg3[%add3A, %dma_wait3A_25] : memref<32x10240xi32, #tpu.memory_space<hbm>> -> memref<1x10240xi32, #tpu.memory_space<hbm>>
      %dma_wait3A_27 = tpu.memref_squeeze %dma_wait3A_26 : memref<1x10240xi32, #tpu.memory_space<hbm>> -> memref<10240xi32, #tpu.memory_space<hbm>>
      tpu.wait_dma2 semaphore(%run_scoped3A : memref<!tpu.dma_semaphore, #tpu.memory_space<semaphore_mem>>) src(%dma_wait3A_27 : memref<10240xi32, #tpu.memory_space<hbm>>) dst(%arg6 : memref<10240xi32, #tpu.memory_space<vmem>>)
      tpu.yield
    }) : () -> ()
    "tpu.region"() ({
      %run_scoped3A = tpu.sem_alloc : memref<!tpu.dma_semaphore, #tpu.memory_space<semaphore_mem>>
      %dma_start3A = arith.constant 0 : i32
      %dma_start3A_18 = tpu.memref_slice %arg4[%add3A, %dma_start3A] : memref<32x10240xi32, #tpu.memory_space<hbm>> -> memref<1x10240xi32, #tpu.memory_space<hbm>>
      %dma_start3A_19 = tpu.memref_squeeze %dma_start3A_18 : memref<1x10240xi32, #tpu.memory_space<hbm>> -> memref<10240xi32, #tpu.memory_space<hbm>>
      %dma_start3A_20 = arith.constant 0 : i32
      %dma_start3A_21 = tpu.memref_slice %arg4[%add3A, %dma_start3A_20] : memref<32x10240xi32, #tpu.memory_space<hbm>> -> memref<1x10240xi32, #tpu.memory_space<hbm>>
      %dma_start3A_22 = tpu.memref_squeeze %dma_start3A_21 : memref<1x10240xi32, #tpu.memory_space<hbm>> -> memref<10240xi32, #tpu.memory_space<hbm>>
      tpu.enqueue_dma source(%dma_start3A_22 : memref<10240xi32, #tpu.memory_space<hbm>>) target(%arg7 : memref<10240xi32, #tpu.memory_space<vmem>>) target_semaphore(%run_scoped3A : memref<!tpu.dma_semaphore, #tpu.memory_space<semaphore_mem>>)
      %dma_wait3A = arith.constant 0 : i32
      %dma_wait3A_23 = tpu.memref_slice %arg4[%add3A, %dma_wait3A] : memref<32x10240xi32, #tpu.memory_space<hbm>> -> memref<1x10240xi32, #tpu.memory_space<hbm>>
      %dma_wait3A_24 = tpu.memref_squeeze %dma_wait3A_23 : memref<1x10240xi32, #tpu.memory_space<hbm>> -> memref<10240xi32, #tpu.memory_space<hbm>>
      %dma_wait3A_25 = arith.constant 0 : i32
      %dma_wait3A_26 = tpu.memref_slice %arg4[%add3A, %dma_wait3A_25] : memref<32x10240xi32, #tpu.memory_space<hbm>> -> memref<1x10240xi32, #tpu.memory_space<hbm>>
      %dma_wait3A_27 = tpu.memref_squeeze %dma_wait3A_26 : memref<1x10240xi32, #tpu.memory_space<hbm>> -> memref<10240xi32, #tpu.memory_space<hbm>>
      tpu.wait_dma2 semaphore(%run_scoped3A : memref<!tpu.dma_semaphore, #tpu.memory_space<semaphore_mem>>) src(%dma_wait3A_27 : memref<10240xi32, #tpu.memory_space<hbm>>) dst(%arg7 : memref<10240xi32, #tpu.memory_space<vmem>>)
      tpu.yield
    }) : () -> ()
    %scan3A_11 = arith.constant 0 : i32
    %scan3A_12 = arith.constant 0 : i32
    %scan3A_13 = arith.constant 80 : i32
    %scan3A_14 = arith.addi %scan3A_12, %scan3A_13 : i32
    %scan3A_15 = arith.constant 1 : i32
    scf.for %scan3A_18 = %scan3A_12 to %scan3A_14 step %scan3A_15  : i32 {
      %mul3A_19 = arith.constant 128 : i32
      %mul3A_20 = arith.muli %scan3A_18, %mul3A_19 : i32
      %dma_start3A = tpu.memref_slice %arg6[%mul3A_20] : memref<10240xi32, #tpu.memory_space<vmem>> -> memref<128xi32, #tpu.memory_space<vmem>>
      %dma_start3A_21 = arith.constant 0 : i32
      %dma_start3A_22 = arith.constant 0 : i32
      %dma_start3A_23 = tpu.memref_slice %arg2[%dma_start3A_21, %dma_start3A_22] : memref<10000x128xf32, #tpu.memory_space<hbm>> -> memref<10000x128xf32, #tpu.memory_space<hbm>>
      tpu.enqueue_indirect_dma source(%dma_start3A_23 : memref<10000x128xf32, #tpu.memory_space<hbm>>) target(%arg8 : memref<128x128xf32, #tpu.memory_space<vmem>>) offsets(%dma_start3A : memref<128xi32, #tpu.memory_space<vmem>>) semaphore(%arg10 : memref<!tpu.dma_semaphore, #tpu.memory_space<semaphore_mem>>)
      %dma_wait3A = tpu.memref_slice %arg6[%mul3A_20] : memref<10240xi32, #tpu.memory_space<vmem>> -> memref<128xi32, #tpu.memory_space<vmem>>
      %dma_wait3A_24 = arith.constant 0 : i32
      %dma_wait3A_25 = arith.constant 0 : i32
      %dma_wait3A_26 = tpu.memref_slice %arg2[%dma_wait3A_24, %dma_wait3A_25] : memref<10000x128xf32, #tpu.memory_space<hbm>> -> memref<10000x128xf32, #tpu.memory_space<hbm>>
      tpu.wait_indirect_dma semaphore(%arg10 : memref<!tpu.dma_semaphore, #tpu.memory_space<semaphore_mem>>) src(%dma_wait3A_26 : memref<10000x128xf32, #tpu.memory_space<hbm>>) dst(%arg8 : memref<128x128xf32, #tpu.memory_space<vmem>>)
      %mul3A_27 = arith.constant 128 : i32
      %mul3A_28 = arith.muli %scan3A_18, %mul3A_27 : i32
      "tpu.region"() ({
        %run_scoped3A = tpu.sem_alloc : memref<!tpu.dma_semaphore, #tpu.memory_space<semaphore_mem>>
        %dma_start3A_29 = tpu.memref_slice %arg7[%mul3A_28] : memref<10240xi32, #tpu.memory_space<vmem>> -> memref<128xi32, #tpu.memory_space<vmem>>
        %dma_start3A_30 = arith.constant 0 : i32
        %dma_start3A_31 = arith.constant 0 : i32
        %dma_start3A_32 = tpu.memref_slice %arg9[%dma_start3A_30, %dma_start3A_31] : memref<10240x128xf32, #tpu.memory_space<vmem_shared>> -> memref<10240x128xf32, #tpu.memory_space<vmem_shared>>
        tpu.enqueue_indirect_dma source(%arg8 : memref<128x128xf32, #tpu.memory_space<vmem>>) target(%dma_start3A_32 : memref<10240x128xf32, #tpu.memory_space<vmem_shared>>) offsets(%dma_start3A_29 : memref<128xi32, #tpu.memory_space<vmem>>) semaphore(%run_scoped3A : memref<!tpu.dma_semaphore, #tpu.memory_space<semaphore_mem>>) {add = true}
        %dma_wait3A_33 = tpu.memref_slice %arg7[%mul3A_28] : memref<10240xi32, #tpu.memory_space<vmem>> -> memref<128xi32, #tpu.memory_space<vmem>>
        %dma_wait3A_34 = arith.constant 0 : i32
        %dma_wait3A_35 = arith.constant 0 : i32
        %dma_wait3A_36 = tpu.memref_slice %arg9[%dma_wait3A_34, %dma_wait3A_35] : memref<10240x128xf32, #tpu.memory_space<vmem_shared>> -> memref<10240x128xf32, #tpu.memory_space<vmem_shared>>
        tpu.wait_indirect_dma semaphore(%run_scoped3A : memref<!tpu.dma_semaphore, #tpu.memory_space<semaphore_mem>>) src(%arg8 : memref<128x128xf32, #tpu.memory_space<vmem>>) dst(%dma_wait3A_36 : memref<10240x128xf32, #tpu.memory_space<vmem_shared>>)
        tpu.yield
      }) : () -> ()
    }
    %scan3A_16 = arith.constant 80 : i32
    %barrier3A_17 = arith.constant 0 : index
    tpu.barrier barrier_id(%barrier3A_17)
    "tpu.region"() ({
      %run_scoped3A = tpu.sem_alloc : memref<!tpu.dma_semaphore, #tpu.memory_space<semaphore_mem>>
      %dma_start3A = arith.constant 0 : i32
      %dma_start3A_18 = tpu.memref_slice %arg5[%arg0, %mul3A_8, %dma_start3A] : memref<2x10240x128xf32, #tpu.memory_space<hbm>> -> memref<1x640x128xf32, #tpu.memory_space<hbm>>
      %dma_start3A_19 = tpu.memref_squeeze %dma_start3A_18 : memref<1x640x128xf32, #tpu.memory_space<hbm>> -> memref<640x128xf32, #tpu.memory_space<hbm>>
      %dma_start3A_20 = arith.constant 0 : i32
      %dma_start3A_21 = tpu.memref_slice %arg9[%mul3A_8, %dma_start3A_20] : memref<10240x128xf32, #tpu.memory_space<vmem_shared>> -> memref<640x128xf32, #tpu.memory_space<vmem_shared>>
      tpu.enqueue_dma source(%dma_start3A_21 : memref<640x128xf32, #tpu.memory_space<vmem_shared>>) target(%dma_start3A_19 : memref<640x128xf32, #tpu.memory_space<hbm>>) target_semaphore(%run_scoped3A : memref<!tpu.dma_semaphore, #tpu.memory_space<semaphore_mem>>)
      %dma_wait3A = arith.constant 0 : i32
      %dma_wait3A_22 = tpu.memref_slice %arg5[%arg0, %mul3A_8, %dma_wait3A] : memref<2x10240x128xf32, #tpu.memory_space<hbm>> -> memref<1x640x128xf32, #tpu.memory_space<hbm>>
      %dma_wait3A_23 = tpu.memref_squeeze %dma_wait3A_22 : memref<1x640x128xf32, #tpu.memory_space<hbm>> -> memref<640x128xf32, #tpu.memory_space<hbm>>
      %dma_wait3A_24 = arith.constant 0 : i32
      %dma_wait3A_25 = tpu.memref_slice %arg9[%mul3A_8, %dma_wait3A_24] : memref<10240x128xf32, #tpu.memory_space<vmem_shared>> -> memref<640x128xf32, #tpu.memory_space<vmem_shared>>
      tpu.wait_dma2 semaphore(%run_scoped3A : memref<!tpu.dma_semaphore, #tpu.memory_space<semaphore_mem>>) src(%dma_wait3A_25 : memref<640x128xf32, #tpu.memory_space<vmem_shared>>) dst(%dma_wait3A_23 : memref<640x128xf32, #tpu.memory_space<hbm>>)
      tpu.yield
    }) : () -> ()
    return
  }
}

#map = affine_map<(d0, d1) -> (0, 0)>
#map1 = affine_map<(d0, d1) -> (0, 0, 0)>
module attributes {stable_mosaic.version = 14 : i64} {
  func.func @sc_agg(%arg0: i32, %arg1: i32, %arg2: memref<10000x128xf32, #tpu.memory_space<hbm>>, %arg3: memref<32x10240xi32, #tpu.memory_space<hbm>>, %arg4: memref<32x10240xi32, #tpu.memory_space<hbm>>, %arg5: memref<2x10240x128xf32, #tpu.memory_space<hbm>>, %arg6: memref<10240xi32, #tpu.memory_space<vmem>>, %arg7: memref<10240xi32, #tpu.memory_space<vmem>>, %arg8: memref<128x128xf32, #tpu.memory_space<vmem>>, %arg9: memref<10240x128xf32, #tpu.memory_space<vmem_shared>>, %arg10: memref<!tpu.dma_semaphore, #tpu.memory_space<semaphore_mem>>) attributes {dimension_semantics = [#tpu.dimension_semantics<core_parallel>, #tpu.dimension_semantics<subcore_parallel>], iteration_bounds = array<i64: 2, 16>, scalar_prefetch = 0 : i64, scratch_operands = 5 : i64, tpu.core_type = #tpu.core_type<sc_vector_subcore>, window_params = [{transform_indices = #map}, {transform_indices = #map}, {transform_indices = #map}, {transform_indices = #map1}]} {
    %mul3A = arith.constant 16 : i32
    %mul3A_0 = arith.muli %arg0, %mul3A : i32
    %add3A = arith.addi %mul3A_0, %arg1 : i32
    %broadcast_in_dim3A = arith.constant 0.000000e+00 : f32
    %broadcast_in_dim3A_1 = vector.broadcast %broadcast_in_dim3A : f32 to vector<16xf32>
    %scan3A = arith.constant 0 : i32
    %scan3A_2 = arith.constant 0 : i32
    %scan3A_3 = arith.constant 128 : i32
    %scan3A_4 = arith.addi %scan3A_2, %scan3A_3 : i32
    %scan3A_5 = arith.constant 1 : i32
    scf.for %scan3A_18 = %scan3A_2 to %scan3A_4 step %scan3A_5  : i32 {
      %swap3A = arith.index_cast %scan3A_18 : i32 to index
      %swap3A_19 = arith.constant 0 : index
      %swap3A_20 = tpu.vector_load %arg8[%swap3A, %swap3A_19] {strides = array<i32>} : memref<128x128xf32, #tpu.memory_space<vmem>>, vector<1x16xf32>,
      %swap3A_21 = vector.shape_cast %swap3A_20 : vector<1x16xf32> to vector<16xf32>
      %swap3A_22 = vector.shape_cast %broadcast_in_dim3A_1 : vector<16xf32> to vector<1x16xf32>
      tpu.vector_store %arg8[%swap3A, %swap3A_19], %swap3A_22 {strides = array<i32>} : memref<128x128xf32, #tpu.memory_space<vmem>>, vector<1x16xf32>,
      %swap3A_23 = arith.index_cast %scan3A_18 : i32 to index
      %swap3A_24 = arith.constant 16 : index
      %swap3A_25 = tpu.vector_load %arg8[%swap3A_23, %swap3A_24] {strides = array<i32>} : memref<128x128xf32, #tpu.memory_space<vmem>>, vector<1x16xf32>,
      %swap3A_26 = vector.shape_cast %swap3A_25 : vector<1x16xf32> to vector<16xf32>
      %swap3A_27 = vector.shape_cast %broadcast_in_dim3A_1 : vector<16xf32> to vector<1x16xf32>
      tpu.vector_store %arg8[%swap3A_23, %swap3A_24], %swap3A_27 {strides = array<i32>} : memref<128x128xf32, #tpu.memory_space<vmem>>, vector<1x16xf32>,
      %swap3A_28 = arith.index_cast %scan3A_18 : i32 to index
      %swap3A_29 = arith.constant 32 : index
      %swap3A_30 = tpu.vector_load %arg8[%swap3A_28, %swap3A_29] {strides = array<i32>} : memref<128x128xf32, #tpu.memory_space<vmem>>, vector<1x16xf32>,
      %swap3A_31 = vector.shape_cast %swap3A_30 : vector<1x16xf32> to vector<16xf32>
      %swap3A_32 = vector.shape_cast %broadcast_in_dim3A_1 : vector<16xf32> to vector<1x16xf32>
      tpu.vector_store %arg8[%swap3A_28, %swap3A_29], %swap3A_32 {strides = array<i32>} : memref<128x128xf32, #tpu.memory_space<vmem>>, vector<1x16xf32>,
      %swap3A_33 = arith.index_cast %scan3A_18 : i32 to index
      %swap3A_34 = arith.constant 48 : index
      %swap3A_35 = tpu.vector_load %arg8[%swap3A_33, %swap3A_34] {strides = array<i32>} : memref<128x128xf32, #tpu.memory_space<vmem>>, vector<1x16xf32>,
      %swap3A_36 = vector.shape_cast %swap3A_35 : vector<1x16xf32> to vector<16xf32>
      %swap3A_37 = vector.shape_cast %broadcast_in_dim3A_1 : vector<16xf32> to vector<1x16xf32>
      tpu.vector_store %arg8[%swap3A_33, %swap3A_34], %swap3A_37 {strides = array<i32>} : memref<128x128xf32, #tpu.memory_space<vmem>>, vector<1x16xf32>,
      %swap3A_38 = arith.index_cast %scan3A_18 : i32 to index
      %swap3A_39 = arith.constant 64 : index
      %swap3A_40 = tpu.vector_load %arg8[%swap3A_38, %swap3A_39] {strides = array<i32>} : memref<128x128xf32, #tpu.memory_space<vmem>>, vector<1x16xf32>,
      %swap3A_41 = vector.shape_cast %swap3A_40 : vector<1x16xf32> to vector<16xf32>
      %swap3A_42 = vector.shape_cast %broadcast_in_dim3A_1 : vector<16xf32> to vector<1x16xf32>
      tpu.vector_store %arg8[%swap3A_38, %swap3A_39], %swap3A_42 {strides = array<i32>} : memref<128x128xf32, #tpu.memory_space<vmem>>, vector<1x16xf32>,
      %swap3A_43 = arith.index_cast %scan3A_18 : i32 to index
      %swap3A_44 = arith.constant 80 : index
      %swap3A_45 = tpu.vector_load %arg8[%swap3A_43, %swap3A_44] {strides = array<i32>} : memref<128x128xf32, #tpu.memory_space<vmem>>, vector<1x16xf32>,
      %swap3A_46 = vector.shape_cast %swap3A_45 : vector<1x16xf32> to vector<16xf32>
      %swap3A_47 = vector.shape_cast %broadcast_in_dim3A_1 : vector<16xf32> to vector<1x16xf32>
      tpu.vector_store %arg8[%swap3A_43, %swap3A_44], %swap3A_47 {strides = array<i32>} : memref<128x128xf32, #tpu.memory_space<vmem>>, vector<1x16xf32>,
      %swap3A_48 = arith.index_cast %scan3A_18 : i32 to index
      %swap3A_49 = arith.constant 96 : index
      %swap3A_50 = tpu.vector_load %arg8[%swap3A_48, %swap3A_49] {strides = array<i32>} : memref<128x128xf32, #tpu.memory_space<vmem>>, vector<1x16xf32>,
      %swap3A_51 = vector.shape_cast %swap3A_50 : vector<1x16xf32> to vector<16xf32>
      %swap3A_52 = vector.shape_cast %broadcast_in_dim3A_1 : vector<16xf32> to vector<1x16xf32>
      tpu.vector_store %arg8[%swap3A_48, %swap3A_49], %swap3A_52 {strides = array<i32>} : memref<128x128xf32, #tpu.memory_space<vmem>>, vector<1x16xf32>,
      %swap3A_53 = arith.index_cast %scan3A_18 : i32 to index
      %swap3A_54 = arith.constant 112 : index
      %swap3A_55 = tpu.vector_load %arg8[%swap3A_53, %swap3A_54] {strides = array<i32>} : memref<128x128xf32, #tpu.memory_space<vmem>>, vector<1x16xf32>,
      %swap3A_56 = vector.shape_cast %swap3A_55 : vector<1x16xf32> to vector<16xf32>
      %swap3A_57 = vector.shape_cast %broadcast_in_dim3A_1 : vector<16xf32> to vector<1x16xf32>
      tpu.vector_store %arg8[%swap3A_53, %swap3A_54], %swap3A_57 {strides = array<i32>} : memref<128x128xf32, #tpu.memory_space<vmem>>, vector<1x16xf32>,
    }
    %scan3A_6 = arith.constant 128 : i32
    %mul3A_7 = arith.constant 640 : i32
    %mul3A_8 = arith.muli %arg1, %mul3A_7 : i32
    "tpu.region"() ({
      %run_scoped3A = tpu.sem_alloc : memref<!tpu.dma_semaphore, #tpu.memory_space<semaphore_mem>>
      %dma_start3A = arith.constant 0 : i32
      %dma_start3A_18 = tpu.memref_slice %arg9[%mul3A_8, %dma_start3A] : memref<10240x128xf32, #tpu.memory_space<vmem_shared>> -> memref<128x128xf32, #tpu.memory_space<vmem_shared>>
      %dma_start3A_19 = arith.constant 0 : i32
      %dma_start3A_20 = tpu.memref_slice %arg9[%mul3A_8, %dma_start3A_19] : memref<10240x128xf32, #tpu.memory_space<vmem_shared>> -> memref<128x128xf32, #tpu.memory_space<vmem_shared>>
      tpu.enqueue_dma source(%arg8 : memref<128x128xf32, #tpu.memory_space<vmem>>) target(%dma_start3A_20 : memref<128x128xf32, #tpu.memory_space<vmem_shared>>) target_semaphore(%run_scoped3A : memref<!tpu.dma_semaphore, #tpu.memory_space<semaphore_mem>>)
      %dma_wait3A = arith.constant 0 : i32
      %dma_wait3A_21 = tpu.memref_slice %arg9[%mul3A_8, %dma_wait3A] : memref<10240x128xf32, #tpu.memory_space<vmem_shared>> -> memref<128x128xf32, #tpu.memory_space<vmem_shared>>
      %dma_wait3A_22 = arith.constant 0 : i32
      %dma_wait3A_23 = tpu.memref_slice %arg9[%mul3A_8, %dma_wait3A_22] : memref<10240x128xf32, #tpu.memory_space<vmem_shared>> -> memref<128x128xf32, #tpu.memory_space<vmem_shared>>
      tpu.wait_dma2 semaphore(%run_scoped3A : memref<!tpu.dma_semaphore, #tpu.memory_space<semaphore_mem>>) src(%arg8 : memref<128x128xf32, #tpu.memory_space<vmem>>) dst(%dma_wait3A_23 : memref<128x128xf32, #tpu.memory_space<vmem_shared>>)
      tpu.yield
    }) : () -> ()
    %add3A_9 = arith.constant 128 : i32
    %add3A_10 = arith.addi %mul3A_8, %add3A_9 : i32
    "tpu.region"() ({
      %run_scoped3A = tpu.sem_alloc : memref<!tpu.dma_semaphore, #tpu.memory_space<semaphore_mem>>
      %dma_start3A = arith.constant 0 : i32
      %dma_start3A_18 = arith.constant 0 : i32
      %dma_start3A_19 = tpu.memref_slice %arg8[%dma_start3A, %dma_start3A_18] : memref<128x128xf32, #tpu.memory_space<vmem>> -> memref<512x128xf32, #tpu.memory_space<vmem>>
      %dma_start3A_20 = arith.constant 0 : i32
      %dma_start3A_21 = tpu.memref_slice %arg9[%add3A_10, %dma_start3A_20] : memref<10240x128xf32, #tpu.memory_space<vmem_shared>> -> memref<512x128xf32, #tpu.memory_space<vmem_shared>>
      %dma_start3A_22 = arith.constant 0 : i32
      %dma_start3A_23 = tpu.memref_slice %arg9[%add3A_10, %dma_start3A_22] : memref<10240x128xf32, #tpu.memory_space<vmem_shared>> -> memref<512x128xf32, #tpu.memory_space<vmem_shared>>
      %dma_start3A_24 = arith.constant 0 : i32
      %dma_start3A_25 = arith.constant 0 : i32
      %dma_start3A_26 = tpu.memref_slice %arg8[%dma_start3A_24, %dma_start3A_25] : memref<128x128xf32, #tpu.memory_space<vmem>> -> memref<512x128xf32, #tpu.memory_space<vmem>>
      tpu.enqueue_dma source(%dma_start3A_26 : memref<512x128xf32, #tpu.memory_space<vmem>>) target(%dma_start3A_23 : memref<512x128xf32, #tpu.memory_space<vmem_shared>>) target_semaphore(%run_scoped3A : memref<!tpu.dma_semaphore, #tpu.memory_space<semaphore_mem>>)
      %dma_wait3A = arith.constant 0 : i32
      %dma_wait3A_27 = arith.constant 0 : i32
      %dma_wait3A_28 = tpu.memref_slice %arg8[%dma_wait3A, %dma_wait3A_27] : memref<128x128xf32, #tpu.memory_space<vmem>> -> memref<512x128xf32, #tpu.memory_space<vmem>>
      %dma_wait3A_29 = arith.constant 0 : i32
      %dma_wait3A_30 = tpu.memref_slice %arg9[%add3A_10, %dma_wait3A_29] : memref<10240x128xf32, #tpu.memory_space<vmem_shared>> -> memref<512x128xf32, #tpu.memory_space<vmem_shared>>
      %dma_wait3A_31 = arith.constant 0 : i32
      %dma_wait3A_32 = tpu.memref_slice %arg9[%add3A_10, %dma_wait3A_31] : memref<10240x128xf32, #tpu.memory_space<vmem_shared>> -> memref<512x128xf32, #tpu.memory_space<vmem_shared>>
      %dma_wait3A_33 = arith.constant 0 : i32
      %dma_wait3A_34 = arith.constant 0 : i32
      %dma_wait3A_35 = tpu.memref_slice %arg8[%dma_wait3A_33, %dma_wait3A_34] : memref<128x128xf32, #tpu.memory_space<vmem>> -> memref<512x128xf32, #tpu.memory_space<vmem>>
      tpu.wait_dma2 semaphore(%run_scoped3A : memref<!tpu.dma_semaphore, #tpu.memory_space<semaphore_mem>>) src(%dma_wait3A_35 : memref<512x128xf32, #tpu.memory_space<vmem>>) dst(%dma_wait3A_32 : memref<512x128xf32, #tpu.memory_space<vmem_shared>>)
      tpu.yield
    }) : () -> ()
    %barrier3A = arith.constant 0 : index
    tpu.barrier barrier_id(%barrier3A)
    "tpu.region"() ({
      %run_scoped3A = tpu.sem_alloc : memref<!tpu.dma_semaphore, #tpu.memory_space<semaphore_mem>>
      %dma_start3A = arith.constant 0 : i32
      %dma_start3A_18 = tpu.memref_slice %arg3[%add3A, %dma_start3A] : memref<32x10240xi32, #tpu.memory_space<hbm>> -> memref<1x10240xi32, #tpu.memory_space<hbm>>
      %dma_start3A_19 = tpu.memref_squeeze %dma_start3A_18 : memref<1x10240xi32, #tpu.memory_space<hbm>> -> memref<10240xi32, #tpu.memory_space<hbm>>
      %dma_start3A_20 = arith.constant 0 : i32
      %dma_start3A_21 = tpu.memref_slice %arg3[%add3A, %dma_start3A_20] : memref<32x10240xi32, #tpu.memory_space<hbm>> -> memref<1x10240xi32, #tpu.memory_space<hbm>>
      %dma_start3A_22 = tpu.memref_squeeze %dma_start3A_21 : memref<1x10240xi32, #tpu.memory_space<hbm>> -> memref<10240xi32, #tpu.memory_space<hbm>>
      tpu.enqueue_dma source(%dma_start3A_22 : memref<10240xi32, #tpu.memory_space<hbm>>) target(%arg6 : memref<10240xi32, #tpu.memory_space<vmem>>) target_semaphore(%run_scoped3A : memref<!tpu.dma_semaphore, #tpu.memory_space<semaphore_mem>>)
      %dma_wait3A = arith.constant 0 : i32
      %dma_wait3A_23 = tpu.memref_slice %arg3[%add3A, %dma_wait3A] : memref<32x10240xi32, #tpu.memory_space<hbm>> -> memref<1x10240xi32, #tpu.memory_space<hbm>>
      %dma_wait3A_24 = tpu.memref_squeeze %dma_wait3A_23 : memref<1x10240xi32, #tpu.memory_space<hbm>> -> memref<10240xi32, #tpu.memory_space<hbm>>
      %dma_wait3A_25 = arith.constant 0 : i32
      %dma_wait3A_26 = tpu.memref_slice %arg3[%add3A, %dma_wait3A_25] : memref<32x10240xi32, #tpu.memory_space<hbm>> -> memref<1x10240xi32, #tpu.memory_space<hbm>>
      %dma_wait3A_27 = tpu.memref_squeeze %dma_wait3A_26 : memref<1x10240xi32, #tpu.memory_space<hbm>> -> memref<10240xi32, #tpu.memory_space<hbm>>
      tpu.wait_dma2 semaphore(%run_scoped3A : memref<!tpu.dma_semaphore, #tpu.memory_space<semaphore_mem>>) src(%dma_wait3A_27 : memref<10240xi32, #tpu.memory_space<hbm>>) dst(%arg6 : memref<10240xi32, #tpu.memory_space<vmem>>)
      tpu.yield
    }) : () -> ()
    "tpu.region"() ({
      %run_scoped3A = tpu.sem_alloc : memref<!tpu.dma_semaphore, #tpu.memory_space<semaphore_mem>>
      %dma_start3A = arith.constant 0 : i32
      %dma_start3A_18 = tpu.memref_slice %arg4[%add3A, %dma_start3A] : memref<32x10240xi32, #tpu.memory_space<hbm>> -> memref<1x10240xi32, #tpu.memory_space<hbm>>
      %dma_start3A_19 = tpu.memref_squeeze %dma_start3A_18 : memref<1x10240xi32, #tpu.memory_space<hbm>> -> memref<10240xi32, #tpu.memory_space<hbm>>
      %dma_start3A_20 = arith.constant 0 : i32
      %dma_start3A_21 = tpu.memref_slice %arg4[%add3A, %dma_start3A_20] : memref<32x10240xi32, #tpu.memory_space<hbm>> -> memref<1x10240xi32, #tpu.memory_space<hbm>>
      %dma_start3A_22 = tpu.memref_squeeze %dma_start3A_21 : memref<1x10240xi32, #tpu.memory_space<hbm>> -> memref<10240xi32, #tpu.memory_space<hbm>>
      tpu.enqueue_dma source(%dma_start3A_22 : memref<10240xi32, #tpu.memory_space<hbm>>) target(%arg7 : memref<10240xi32, #tpu.memory_space<vmem>>) target_semaphore(%run_scoped3A : memref<!tpu.dma_semaphore, #tpu.memory_space<semaphore_mem>>)
      %dma_wait3A = arith.constant 0 : i32
      %dma_wait3A_23 = tpu.memref_slice %arg4[%add3A, %dma_wait3A] : memref<32x10240xi32, #tpu.memory_space<hbm>> -> memref<1x10240xi32, #tpu.memory_space<hbm>>
      %dma_wait3A_24 = tpu.memref_squeeze %dma_wait3A_23 : memref<1x10240xi32, #tpu.memory_space<hbm>> -> memref<10240xi32, #tpu.memory_space<hbm>>
      %dma_wait3A_25 = arith.constant 0 : i32
      %dma_wait3A_26 = tpu.memref_slice %arg4[%add3A, %dma_wait3A_25] : memref<32x10240xi32, #tpu.memory_space<hbm>> -> memref<1x10240xi32, #tpu.memory_space<hbm>>
      %dma_wait3A_27 = tpu.memref_squeeze %dma_wait3A_26 : memref<1x10240xi32, #tpu.memory_space<hbm>> -> memref<10240xi32, #tpu.memory_space<hbm>>
      tpu.wait_dma2 semaphore(%run_scoped3A : memref<!tpu.dma_semaphore, #tpu.memory_space<semaphore_mem>>) src(%dma_wait3A_27 : memref<10240xi32, #tpu.memory_space<hbm>>) dst(%arg7 : memref<10240xi32, #tpu.memory_space<vmem>>)
      tpu.yield
    }) : () -> ()
    %scan3A_11 = arith.constant 0 : i32
    %scan3A_12 = arith.constant 0 : i32
    %scan3A_13 = arith.constant 80 : i32
    %scan3A_14 = arith.addi %scan3A_12, %scan3A_13 : i32
    %scan3A_15 = arith.constant 1 : i32
    scf.for %scan3A_18 = %scan3A_12 to %scan3A_14 step %scan3A_15  : i32 {
      %mul3A_19 = arith.constant 128 : i32
      %mul3A_20 = arith.muli %scan3A_18, %mul3A_19 : i32
      %dma_start3A = tpu.memref_slice %arg6[%mul3A_20] : memref<10240xi32, #tpu.memory_space<vmem>> -> memref<128xi32, #tpu.memory_space<vmem>>
      %dma_start3A_21 = arith.constant 0 : i32
      %dma_start3A_22 = arith.constant 0 : i32
      %dma_start3A_23 = tpu.memref_slice %arg2[%dma_start3A_21, %dma_start3A_22] : memref<10000x128xf32, #tpu.memory_space<hbm>> -> memref<10000x128xf32, #tpu.memory_space<hbm>>
      tpu.enqueue_indirect_dma source(%dma_start3A_23 : memref<10000x128xf32, #tpu.memory_space<hbm>>) target(%arg8 : memref<128x128xf32, #tpu.memory_space<vmem>>) offsets(%dma_start3A : memref<128xi32, #tpu.memory_space<vmem>>) semaphore(%arg10 : memref<!tpu.dma_semaphore, #tpu.memory_space<semaphore_mem>>)
      %dma_wait3A = tpu.memref_slice %arg6[%mul3A_20] : memref<10240xi32, #tpu.memory_space<vmem>> -> memref<128xi32, #tpu.memory_space<vmem>>
      %dma_wait3A_24 = arith.constant 0 : i32
      %dma_wait3A_25 = arith.constant 0 : i32
      %dma_wait3A_26 = tpu.memref_slice %arg2[%dma_wait3A_24, %dma_wait3A_25] : memref<10000x128xf32, #tpu.memory_space<hbm>> -> memref<10000x128xf32, #tpu.memory_space<hbm>>
      tpu.wait_indirect_dma semaphore(%arg10 : memref<!tpu.dma_semaphore, #tpu.memory_space<semaphore_mem>>) src(%dma_wait3A_26 : memref<10000x128xf32, #tpu.memory_space<hbm>>) dst(%arg8 : memref<128x128xf32, #tpu.memory_space<vmem>>)
      %mul3A_27 = arith.constant 128 : i32
      %mul3A_28 = arith.muli %scan3A_18, %mul3A_27 : i32
      "tpu.region"() ({
        %run_scoped3A = tpu.sem_alloc : memref<!tpu.dma_semaphore, #tpu.memory_space<semaphore_mem>>
        %dma_start3A_29 = tpu.memref_slice %arg7[%mul3A_28] : memref<10240xi32, #tpu.memory_space<vmem>> -> memref<128xi32, #tpu.memory_space<vmem>>
        %dma_start3A_30 = arith.constant 0 : i32
        %dma_start3A_31 = arith.constant 0 : i32
        %dma_start3A_32 = tpu.memref_slice %arg9[%dma_start3A_30, %dma_start3A_31] : memref<10240x128xf32, #tpu.memory_space<vmem_shared>> -> memref<10240x128xf32, #tpu.memory_space<vmem_shared>>
        tpu.enqueue_indirect_dma source(%arg8 : memref<128x128xf32, #tpu.memory_space<vmem>>) target(%dma_start3A_32 : memref<10240x128xf32, #tpu.memory_space<vmem_shared>>) offsets(%dma_start3A_29 : memref<128xi32, #tpu.memory_space<vmem>>) semaphore(%run_scoped3A : memref<!tpu.dma_semaphore, #tpu.memory_space<semaphore_mem>>) {add = true}
        %dma_wait3A_33 = tpu.memref_slice %arg7[%mul3A_28] : memref<10240xi32, #tpu.memory_space<vmem>> -> memref<128xi32, #tpu.memory_space<vmem>>
        %dma_wait3A_34 = arith.constant 0 : i32
        %dma_wait3A_35 = arith.constant 0 : i32
        %dma_wait3A_36 = tpu.memref_slice %arg9[%dma_wait3A_34, %dma_wait3A_35] : memref<10240x128xf32, #tpu.memory_space<vmem_shared>> -> memref<10240x128xf32, #tpu.memory_space<vmem_shared>>
        tpu.wait_indirect_dma semaphore(%run_scoped3A : memref<!tpu.dma_semaphore, #tpu.memory_space<semaphore_mem>>) src(%arg8 : memref<128x128xf32, #tpu.memory_space<vmem>>) dst(%dma_wait3A_36 : memref<10240x128xf32, #tpu.memory_space<vmem_shared>>)
        tpu.yield
      }) : () -> ()
    }
    %scan3A_16 = arith.constant 80 : i32
    %barrier3A_17 = arith.constant 0 : index
    tpu.barrier barrier_id(%barrier3A_17)
    "tpu.region"() ({
      %run_scoped3A = tpu.sem_alloc : memref<!tpu.dma_semaphore, #tpu.memory_space<semaphore_mem>>
      %dma_start3A = arith.constant 0 : i32
      %dma_start3A_18 = tpu.memref_slice %arg5[%arg0, %mul3A_8, %dma_start3A] : memref<2x10240x128xf32, #tpu.memory_space<hbm>> -> memref<1x640x128xf32, #tpu.memory_space<hbm>>
      %dma_start3A_19 = tpu.memref_squeeze %dma_start3A_18 : memref<1x640x128xf32, #tpu.memory_space<hbm>> -> memref<640x128xf32, #tpu.memory_space<hbm>>
      %dma_start3A_20 = arith.constant 0 : i32
      %dma_start3A_21 = tpu.memref_slice %arg9[%mul3A_8, %dma_start3A_20] : memref<10240x128xf32, #tpu.memory_space<vmem_shared>> -> memref<640x128xf32, #tpu.memory_space<vmem_shared>>
      tpu.enqueue_dma source(%dma_start3A_21 : memref<640x128xf32, #tpu.memory_space<vmem_shared>>) target(%dma_start3A_19 : memref<640x128xf32, #tpu.memory_space<hbm>>) target_semaphore(%run_scoped3A : memref<!tpu.dma_semaphore, #tpu.memory_space<semaphore_mem>>)
      %dma_wait3A = arith.constant 0 : i32
      %dma_wait3A_22 = tpu.memref_slice %arg5[%arg0, %mul3A_8, %dma_wait3A] : memref<2x10240x128xf32, #tpu.memory_space<hbm>> -> memref<1x640x128xf32, #tpu.memory_space<hbm>>
      %dma_wait3A_23 = tpu.memref_squeeze %dma_wait3A_22 : memref<1x640x128xf32, #tpu.memory_space<hbm>> -> memref<640x128xf32, #tpu.memory_space<hbm>>
      %dma_wait3A_24 = arith.constant 0 : i32
      %dma_wait3A_25 = tpu.memref_slice %arg9[%mul3A_8, %dma_wait3A_24] : memref<10240x128xf32, #tpu.memory_space<vmem_shared>> -> memref<640x128xf32, #tpu.memory_space<vmem_shared>>
      tpu.wait_dma2 semaphore(%run_scoped3A : memref<!tpu.dma_semaphore, #tpu.memory_space<semaphore_mem>>) src(%dma_wait3A_25 : memref<640x128xf32, #tpu.memory_space<vmem_shared>>) dst(%dma_wait3A_23 : memref<640x128xf32, #tpu.memory_space<hbm>>)
      tpu.yield
    }) : () -> ()
    return
  }
}

module attributes {stable_mosaic.version = 14 : i64} {
  func.func @body(%arg0: i32, %arg1: memref<1xf32, #tpu.memory_space<smem>>, %arg2: memref<1000x128xf32, #tpu.memory_space<vmem>>, %arg3: memref<2x1000x128xf32, #tpu.memory_space<vmem>>, %arg4: memref<128x128xf32, #tpu.memory_space<vmem>>, %arg5: memref<1x128xf32, #tpu.memory_space<vmem>>, %arg6: memref<1000x128xf32, #tpu.memory_space<vmem>>) attributes {dimension_semantics = [#tpu.dimension_semantics<arbitrary>], iteration_bounds = array<i64: 10>, scalar_prefetch = 0 : i64, scratch_operands = 0 : i64, tpu.core_type = #tpu.core_type<tc>, window_params = [{transform_indices = @transform_0, window_bounds = array<i64: 1>}, {transform_indices = @transform_1, window_bounds = array<i64: 1000, 128>}, {transform_indices = @transform_2, window_bounds = array<i64: 2, 1000, 128>}, {pipeline_mode = #tpu.pipeline_mode<synchronous>, transform_indices = @transform_3, window_bounds = array<i64: 128, 128>}, {pipeline_mode = #tpu.pipeline_mode<synchronous>, transform_indices = @transform_4, window_bounds = array<i64: 1, 128>}, {transform_indices = @transform_5, window_bounds = array<i64: 1000, 128>}]} {
    %get3A = arith.constant 0 : index
    %get3A_0 = arith.constant 0 : index
    %get3A_1 = vector.load %arg2[%get3A, %get3A_0] : memref<1000x128xf32, #tpu.memory_space<vmem>>, vector<1000x128xf32>
    %get3A_2 = arith.constant 0 : index
    %get3A_3 = memref.load %arg1[%get3A_2] : memref<1xf32, #tpu.memory_space<smem>>
    %add3A = arith.constant 1.000000e+00 : f32
    %add3A_4 = arith.addf %add3A, %get3A_3 : f32
    %mul3A = vector.broadcast %add3A_4 : f32 to vector<1000x128xf32>
    %mul3A_5 = arith.mulf %get3A_1, %mul3A : vector<1000x128xf32>
    %get3A_6 = arith.constant 0 : index
    %get3A_7 = arith.constant 0 : index
    %get3A_8 = arith.constant 0 : index
    %get3A_9 = vector.load %arg3[%get3A_6, %get3A_7, %get3A_8] : memref<2x1000x128xf32, #tpu.memory_space<vmem>>, vector<1x1000x128xf32>
    %get3A_10 = vector.shape_cast %get3A_9 : vector<1x1000x128xf32> to vector<1000x128xf32>
    %add3A_11 = arith.addf %mul3A_5, %get3A_10 : vector<1000x128xf32>
    %get3A_12 = arith.constant 1 : index
    %get3A_13 = arith.constant 0 : index
    %get3A_14 = arith.constant 0 : index
    %get3A_15 = vector.load %arg3[%get3A_12, %get3A_13, %get3A_14] : memref<2x1000x128xf32, #tpu.memory_space<vmem>>, vector<1x1000x128xf32>
    %get3A_16 = vector.shape_cast %get3A_15 : vector<1x1000x128xf32> to vector<1000x128xf32>
    %add3A_17 = arith.addf %add3A_11, %get3A_16 : vector<1000x128xf32>
    %get3A_18 = arith.constant 0 : index
    %get3A_19 = arith.constant 0 : index
    %get3A_20 = vector.load %arg4[%get3A_18, %get3A_19] : memref<128x128xf32, #tpu.memory_space<vmem>>, vector<128x128xf32>
    %dot_general3A = arith.constant dense<0.000000e+00> : vector<1000x128xf32>
    %dot_general3A_21 = tpu.matmul %add3A_17, %get3A_20, %dot_general3A {dimension_numbers = #tpu.dot_dimension_numbers<[1], [0], [0], [1], [0, 0, 1, 1], [], []>, transpose_lhs_hint = false} : vector<1000x128xf32>, vector<128x128xf32>, vector<1000x128xf32> -> vector<1000x128xf32>
    %get3A_22 = arith.constant 0 : index
    %get3A_23 = arith.constant 0 : index
    %get3A_24 = vector.load %arg5[%get3A_22, %get3A_23] : memref<1x128xf32, #tpu.memory_space<vmem>>, vector<1x128xf32>
    %add3A_25 = vector.broadcast %get3A_24 : vector<1x128xf32> to vector<1000x128xf32>
    %add3A_26 = arith.addf %dot_general3A_21, %add3A_25 : vector<1000x128xf32>
    %max3A = arith.constant 0.000000e+00 : f32
    %max3A_27 = vector.broadcast %max3A : f32 to vector<1000x128xf32>
    %max3A_28 = arith.maximumf %add3A_26, %max3A_27 : vector<1000x128xf32>
    %swap3A = arith.constant 0 : index
    %swap3A_29 = arith.constant 0 : index
    %swap3A_30 = vector.load %arg6[%swap3A, %swap3A_29] : memref<1000x128xf32, #tpu.memory_space<vmem>>, vector<1000x128xf32>
    tpu.vector_store %arg6[%swap3A, %swap3A_29], %max3A_28 {strides = array<i32>} : memref<1000x128xf32, #tpu.memory_space<vmem>>, vector<1000x128xf32>,
    return
  }
  func.func @transform_0(%arg0: i32) -> i32 {
    %c0_i32 = arith.constant 0 : i32
    %c0_i32_0 = arith.constant 0 : i32
    return %c0_i32 : i32
  }
  func.func @transform_1(%arg0: i32) -> (i32, i32) {
    %c0_i32 = arith.constant 0 : i32
    %c0_i32_0 = arith.constant 0 : i32
    return %arg0, %c0_i32 : i32, i32
  }
  func.func @transform_2(%arg0: i32) -> (i32, i32, i32) {
    %c0_i32 = arith.constant 0 : i32
    %c0_i32_0 = arith.constant 0 : i32
    %c0_i32_1 = arith.constant 0 : i32
    return %c0_i32, %arg0, %c0_i32_0 : i32, i32, i32
  }
  func.func @transform_3(%arg0: i32) -> (i32, i32) {
    %c0_i32 = arith.constant 0 : i32
    %c0_i32_0 = arith.constant 0 : i32
    %c0_i32_1 = arith.constant 0 : i32
    return %c0_i32, %c0_i32_0 : i32, i32
  }
  func.func @transform_4(%arg0: i32) -> (i32, i32) {
    %c0_i32 = arith.constant 0 : i32
    %c0_i32_0 = arith.constant 0 : i32
    %c0_i32_1 = arith.constant 0 : i32
    return %c0_i32, %c0_i32_0 : i32, i32
  }
  func.func @transform_5(%arg0: i32) -> (i32, i32) {
    %c0_i32 = arith.constant 0 : i32
    %c0_i32_0 = arith.constant 0 : i32
    return %arg0, %c0_i32 : i32, i32
  }
}

module attributes {stable_mosaic.version = 14 : i64} {
  func.func @body(%arg0: i32, %arg1: memref<1xf32, #tpu.memory_space<smem>>, %arg2: memref<1000x128xf32, #tpu.memory_space<vmem>>, %arg3: memref<2x1000x128xf32, #tpu.memory_space<vmem>>, %arg4: memref<128x128xf32, #tpu.memory_space<vmem>>, %arg5: memref<1x128xf32, #tpu.memory_space<vmem>>, %arg6: memref<1000x128xf32, #tpu.memory_space<vmem>>) attributes {dimension_semantics = [#tpu.dimension_semantics<arbitrary>], iteration_bounds = array<i64: 10>, scalar_prefetch = 0 : i64, scratch_operands = 0 : i64, tpu.core_type = #tpu.core_type<tc>, window_params = [{transform_indices = @transform_0, window_bounds = array<i64: 1>}, {transform_indices = @transform_1, window_bounds = array<i64: 1000, 128>}, {transform_indices = @transform_2, window_bounds = array<i64: 2, 1000, 128>}, {pipeline_mode = #tpu.pipeline_mode<synchronous>, transform_indices = @transform_3, window_bounds = array<i64: 128, 128>}, {pipeline_mode = #tpu.pipeline_mode<synchronous>, transform_indices = @transform_4, window_bounds = array<i64: 1, 128>}, {transform_indices = @transform_5, window_bounds = array<i64: 1000, 128>}]} {
    %get3A = arith.constant 0 : index
    %get3A_0 = arith.constant 0 : index
    %get3A_1 = vector.load %arg2[%get3A, %get3A_0] : memref<1000x128xf32, #tpu.memory_space<vmem>>, vector<1000x128xf32>
    %get3A_2 = arith.constant 0 : index
    %get3A_3 = memref.load %arg1[%get3A_2] : memref<1xf32, #tpu.memory_space<smem>>
    %add3A = arith.constant 1.000000e+00 : f32
    %add3A_4 = arith.addf %add3A, %get3A_3 : f32
    %mul3A = vector.broadcast %add3A_4 : f32 to vector<1000x128xf32>
    %mul3A_5 = arith.mulf %get3A_1, %mul3A : vector<1000x128xf32>
    %get3A_6 = arith.constant 0 : index
    %get3A_7 = arith.constant 0 : index
    %get3A_8 = arith.constant 0 : index
    %get3A_9 = vector.load %arg3[%get3A_6, %get3A_7, %get3A_8] : memref<2x1000x128xf32, #tpu.memory_space<vmem>>, vector<1x1000x128xf32>
    %get3A_10 = vector.shape_cast %get3A_9 : vector<1x1000x128xf32> to vector<1000x128xf32>
    %add3A_11 = arith.addf %mul3A_5, %get3A_10 : vector<1000x128xf32>
    %get3A_12 = arith.constant 1 : index
    %get3A_13 = arith.constant 0 : index
    %get3A_14 = arith.constant 0 : index
    %get3A_15 = vector.load %arg3[%get3A_12, %get3A_13, %get3A_14] : memref<2x1000x128xf32, #tpu.memory_space<vmem>>, vector<1x1000x128xf32>
    %get3A_16 = vector.shape_cast %get3A_15 : vector<1x1000x128xf32> to vector<1000x128xf32>
    %add3A_17 = arith.addf %add3A_11, %get3A_16 : vector<1000x128xf32>
    %get3A_18 = arith.constant 0 : index
    %get3A_19 = arith.constant 0 : index
    %get3A_20 = vector.load %arg4[%get3A_18, %get3A_19] : memref<128x128xf32, #tpu.memory_space<vmem>>, vector<128x128xf32>
    %dot_general3A = arith.constant dense<0.000000e+00> : vector<1000x128xf32>
    %dot_general3A_21 = tpu.matmul %add3A_17, %get3A_20, %dot_general3A {dimension_numbers = #tpu.dot_dimension_numbers<[1], [0], [0], [1], [0, 0, 1, 1], [], []>, transpose_lhs_hint = false} : vector<1000x128xf32>, vector<128x128xf32>, vector<1000x128xf32> -> vector<1000x128xf32>
    %get3A_22 = arith.constant 0 : index
    %get3A_23 = arith.constant 0 : index
    %get3A_24 = vector.load %arg5[%get3A_22, %get3A_23] : memref<1x128xf32, #tpu.memory_space<vmem>>, vector<1x128xf32>
    %add3A_25 = vector.broadcast %get3A_24 : vector<1x128xf32> to vector<1000x128xf32>
    %add3A_26 = arith.addf %dot_general3A_21, %add3A_25 : vector<1000x128xf32>
    %reduce_max3A = arith.constant dense<0xFF800000> : vector<1000xf32>
    %reduce_max3A_27 = vector.multi_reduction <maximumf>, %add3A_26, %reduce_max3A [1] : vector<1000x128xf32> to vector<1000xf32>
    %broadcast_in_dim3A = vector.shape_cast %reduce_max3A_27 : vector<1000xf32> to vector<1000x1xf32>
    %sub3A = vector.broadcast %broadcast_in_dim3A : vector<1000x1xf32> to vector<1000x128xf32>
    %sub3A_28 = arith.subf %add3A_26, %sub3A : vector<1000x128xf32>
    %exp3A = math.exp %sub3A_28 : vector<1000x128xf32>
    %reduce_sum3A = arith.constant dense<0.000000e+00> : vector<1000xf32>
    %reduce_sum3A_29 = vector.multi_reduction <add>, %exp3A, %reduce_sum3A [1] : vector<1000x128xf32> to vector<1000xf32>
    %broadcast_in_dim3A_30 = vector.shape_cast %reduce_sum3A_29 : vector<1000xf32> to vector<1000x1xf32>
    %log3A = math.log %broadcast_in_dim3A_30 : vector<1000x1xf32>
    %sub3A_31 = vector.broadcast %log3A : vector<1000x1xf32> to vector<1000x128xf32>
    %sub3A_32 = arith.subf %sub3A_28, %sub3A_31 : vector<1000x128xf32>
    %swap3A = arith.constant 0 : index
    %swap3A_33 = arith.constant 0 : index
    %swap3A_34 = vector.load %arg6[%swap3A, %swap3A_33] : memref<1000x128xf32, #tpu.memory_space<vmem>>, vector<1000x128xf32>
    tpu.vector_store %arg6[%swap3A, %swap3A_33], %sub3A_32 {strides = array<i32>} : memref<1000x128xf32, #tpu.memory_space<vmem>>, vector<1000x128xf32>,
    return
  }
  func.func @transform_0(%arg0: i32) -> i32 {
    %c0_i32 = arith.constant 0 : i32
    %c0_i32_0 = arith.constant 0 : i32
    return %c0_i32 : i32
  }
  func.func @transform_1(%arg0: i32) -> (i32, i32) {
    %c0_i32 = arith.constant 0 : i32
    %c0_i32_0 = arith.constant 0 : i32
    return %arg0, %c0_i32 : i32, i32
  }
  func.func @transform_2(%arg0: i32) -> (i32, i32, i32) {
    %c0_i32 = arith.constant 0 : i32
    %c0_i32_0 = arith.constant 0 : i32
    %c0_i32_1 = arith.constant 0 : i32
    return %c0_i32, %arg0, %c0_i32_0 : i32, i32, i32
  }
  func.func @transform_3(%arg0: i32) -> (i32, i32) {
    %c0_i32 = arith.constant 0 : i32
    %c0_i32_0 = arith.constant 0 : i32
    %c0_i32_1 = arith.constant 0 : i32
    return %c0_i32, %c0_i32_0 : i32, i32
  }
  func.func @transform_4(%arg0: i32) -> (i32, i32) {
    %c0_i32 = arith.constant 0 : i32
    %c0_i32_0 = arith.constant 0 : i32
    %c0_i32_1 = arith.constant 0 : i32
    return %c0_i32, %c0_i32_0 : i32, i32
  }
  func.func @transform_5(%arg0: i32) -> (i32, i32) {
    %c0_i32 = arith.constant 0 : i32
    %c0_i32_0 = arith.constant 0 : i32
    return %arg0, %c0_i32 : i32, i32
  }
}

</mosaic_0001>

<sc_bundles>
// kernel: kernel.11.cloned.1.call-start
scs
__scs_entry_jumppad:
0x0: {  	(pc) =	sbr.rel $0x88, $3  }
0x1: {  	(tag) =	ssettag $0x0;
	lr =	simm.s32 $0x1  }
0x2: {  	[smem:$0x3F96] =	sst lr;
	_ =	strace $0xD0000000  }
0x3: {  	_ = 	snop  }
0x4: {  	_ = 	snop  }
0x5: {  	_ = 	snop  }
0x6: {  	_ = 	snop  }
0x7: {  	_ = 	snop  }
__scs_overlays_trampoline_lowered:
0x8: {  	[smem:$0x3FA5] =	sst s0  }
0x9: {  	[smem:$0x3FA6] =	sst s1  }
0xa: {  	[smem:$0x3FA7] =	sst s2  }
0xb: {  	[smem:$0x3FA8] =	sst s3  }
0xc: {  	[smem:$0x3FA9] =	sst s4  }
0xd: {  	[smem:$0x3FAA] =	sst s5  }
0xe: {  	[smem:$0x3FAB] =	sst s6  }
0xf: {  	[smem:$0x3FAC] =	sst s7  }
0x10: {  	[smem:$0x3FAD] =	sst s8  }
0x11: {  	[smem:$0x3FAE] =	sst s9;
	s0 =	simm.s32 @!p0 $0x0  }
0x12: {  	s1 =	sld [smem:$0x3F94];
	s0 =	simm.s32 @p0 $0x1  }
0x13: {  	[smem:$0x3FAF] =	sst s0;
	s0 =	simm.s32 @!p1 $0x0  }
0x14: {  	s2 =	sld [smem:$0x3F93];
	s0 =	simm.s32 @p1 $0x1  }
0x15: {  	[smem:$0x3FB0] =	sst s0;
	s0 =	simm.s32 @!p2 $0x0  }
0x16: {  	s3 =	sld [smem:$0x3FDB];
	s0 =	simm.s32 @p2 $0x1  }
0x17: {  	s4 =	simm.s32 $0x1BF5;
	[smem:$0x3FB2] =	sst s0  }
0x18: {  	s0 =	sld [smem:$0x3F95];
	_ =	swait.ge [sflag:s4], $0x0  }
0x19: {  	s7 =	sld [smem:$0x3F96]  }
0x1a: {  	s8 =	sadd.s32 $0xFFFFE003, lr  }
0x1b: {  	s9 =	sadd.s32 $0xFFFFFEF7, lr;
	s5 =	simm.s32 $0xFFFFFFFF;
	p2 =	slt.u32 s8, $0xFFFFF086  }
0x1c: {  	p1 =	slt.u32 s9, $0xF7A;
	s5 =	simm.s32 @!p2 $0x0  }
0x1d: {  	s5 =	simm.s32 @p1 $0x1;
	p0 =	seq.s32 s7, s2  }
0x1e: {  	s7 =	smul.u32 @!p0 $0xF7A, s2;
	p2 =	seq.s32 @!p0 s5, $0x0  }
0x1f: {  	s9 =	smul.u32 $0xF7A, s1;
	s8 =	simm.s32 @!p0 $0x1BF5;
	p2 =	por !p2, p0  }
0x20: {  	[sflag:s8] =	ssyncset.s32 @!p0 $0xFFFFF086;
	s6 =	sadd.s32 @!p0 s3, s7;
	s7 =	simm.s32 @!p0 $0x108  }
0x21: {  	s3 =	sadd.s32 s3, s9;
	s6 =	sadd.s32 @!p0 $0x88, s6;
	s7 =	simm.s32 @p2 $0x1082  }
0x22: {  	[simem:s7], [sflag:s8] =	dma.local @!p0 [hbm:s6], $0xF7A  }
0x23: {  	s9 =	sor.u32 $0xD0000000, s2;
	s6 =	simm.s32 $0x108;
	_ =	swait.ge @!p0 [sflag:s8], $0x0  }
0x24: {  	s3 =	sadd.s32 $0x88, s3;
	s6 =	simm.s32 @!p1 $0x1082;
	[sflag:s4] =	ssyncset.s32 $0xFFFFF086  }
0x25: {  	[simem:s6], [sflag:s4] =	dma.local [hbm:s3], $0xF7A  }
0x26: {  	[smem:$0x3F96] =	sst s1;
	(tag) =	ssettag s2;
	_ =	strace s9  }
0x27: {  	s1 =	sld [smem:$0x3FA6]  }
0x28: {  	s2 =	sld [smem:$0x3FA7]  }
0x29: {  	s4 =	sld [smem:$0x3FA9]  }
0x2a: {  	p0 =	seq.s32 s5, $0x0;
	s5 =	sld [smem:$0x3FAA]  }
0x2b: {  	s6 =	sld [smem:$0x3FAB]  }
0x2c: {  	s7 =	sld [smem:$0x3FAC]  }
0x2d: {  	s3 =	simm.s32 $0x108;
	s8 =	sld [smem:$0x3FAD]  }
0x2e: {  	s3 =	simm.s32 @!p0 $0x1082;
	s9 =	sld [smem:$0x3FAE]  }
0x2f: {  	lr =	sadd.s32 s0, s3;
	s0 =	sld [smem:$0x3FA5]  }
0x30: {  	s3 =	sld [smem:$0x3FA8]  }
0x31: {  	[smem:$0x3FB1] =	sst s10  }
0x32: {  	s10 =	sld [smem:$0x3FAF];
	_ =	sdelay $0x3  }
0x33: {  	p0 =	seq.s32 s10, $0x1;
	s10 =	sld [smem:$0x3FB1];
	_ =	sdelay $0x3  }
0x34: {  	[smem:$0x3FB1] =	sst s10  }
0x35: {  	s10 =	sld [smem:$0x3FB0];
	_ =	sdelay $0x3  }
0x36: {  	p1 =	seq.s32 s10, $0x1;
	s10 =	sld [smem:$0x3FB1];
	_ =	sdelay $0x3  }
0x37: {  	[smem:$0x3FB1] =	sst s10  }
0x38: {  	s10 =	sld [smem:$0x3FB2]  }
0x39: {  	_ = 	snop;
	(pc) =	sbr.ind lr, $3  }
0x3a: {  	_ = 	snop  }
0x3b: {  	_ = 	snop  }
0x3c: {  	p2 =	seq.s32 s10, $0x1;
	s10 =	sld [smem:$0x3FB1]  }
0x3d: {  	_ =	shalt  }
0x3e: {  	_ =	shalt  }
0x3f: {  	_ =	shalt  }
0x40: {  	_ =	shalt  }
0x41: {  	_ =	shalt  }
0x42: {  	_ =	shalt  }
0x43: {  	_ =	shalt  }
0x44: {  	_ =	shalt  }
0x45: {  	_ =	shalt  }
0x46: {  	_ =	shalt  }
0x47: {  	_ =	shalt  }
0x48: {  	_ =	shalt  }
0x49: {  	_ =	shalt  }
0x4a: {  	_ =	shalt  }
0x4b: {  	_ =	shalt  }
0x4c: {  	_ =	shalt  }
0x4d: {  	_ =	shalt  }
0x4e: {  	_ =	shalt  }
0x4f: {  	_ =	shalt  }
0x50: {  	_ =	shalt  }
0x51: {  	_ =	shalt  }
0x52: {  	_ =	shalt  }
0x53: {  	_ =	shalt  }
0x54: {  	_ =	shalt  }
0x55: {  	_ =	shalt  }
0x56: {  	_ =	shalt  }
0x57: {  	_ =	shalt  }
0x58: {  	_ =	shalt  }
0x59: {  	_ =	shalt  }
0x5a: {  	_ =	shalt  }
0x5b: {  	_ =	shalt  }
0x5c: {  	_ =	shalt  }
0x5d: {  	_ =	shalt  }
0x5e: {  	_ =	shalt  }
0x5f: {  	_ =	shalt  }
0x60: {  	_ =	shalt  }
0x61: {  	_ =	shalt  }
0x62: {  	_ =	shalt  }
0x63: {  	_ =	shalt  }
0x64: {  	_ =	shalt  }
0x65: {  	_ =	shalt  }
0x66: {  	_ =	shalt  }
0x67: {  	_ =	shalt  }
0x68: {  	_ =	shalt  }
0x69: {  	_ =	shalt  }
0x6a: {  	_ =	shalt  }
0x6b: {  	_ =	shalt  }
0x6c: {  	_ =	shalt  }
0x6d: {  	_ =	shalt  }
0x6e: {  	_ =	shalt  }
0x6f: {  	_ =	shalt  }
0x70: {  	_ =	shalt  }
0x71: {  	_ =	shalt  }
0x72: {  	_ =	shalt  }
0x73: {  	_ =	shalt  }
0x74: {  	_ =	shalt  }
0x75: {  	_ =	shalt  }
0x76: {  	_ =	shalt  }
0x77: {  	_ =	shalt  }
0x78: {  	_ =	shalt  }
0x79: {  	_ =	shalt  }
0x7a: {  	_ =	shalt  }
0x7b: {  	_ =	shalt  }
0x7c: {  	_ =	shalt  }
0x7d: {  	_ =	shalt  }
0x7e: {  	_ =	shalt  }
0x7f: {  	_ =	shalt  }
0x80: {  	_ =	shalt  }
0x81: {  	_ =	shalt  }
0x82: {  	_ =	shalt  }
0x83: {  	_ =	shalt  }
0x84: {  	_ =	shalt  }
0x85: {  	_ =	shalt  }
0x86: {  	_ =	shalt  }
0x87: {  	_ =	shalt  }
.Lfunc_end0:
.L_simem_size_0:
called_computation.1_lowered:
.L_overlay_start_0:
0x88: {  	s2 =	sld [smem:$0x3FD9]  }
0x89: {  	s3 =	sld [smem:$0x3FFE];
	_ =	sdelay $0x1  }
0x8a: {  	s1 =	srdreg.scid  }
0x8b: {  	s0 =	sand.u32 $0x1, s1  }
0x8c: {  	s17 =	sshll.u32 s0, $0xA;
	s2 =	sadd.s32 s3, s2  }
0x8d: {  	s2 =	sadd.s32 s2, s17  }
0x8e: {  	[smem:$0x3FBD] =	sst s2  }
0x8f: {  	_ = 	snop  }
0x90: {  	s2 =	sld [smem:$0x3FD0];
	(tm) =	ssettm $0x1  }
0x91: {  	s18 =	sld [smem:$0x3FFB];
	_ =	sdelay $0x3  }
0x92: {  	_ =	strace s18  }
0x93: {  	s3 =	sld [smem:$0x3FFC];
	_ =	sdelay $0x3  }
0x94: {  	_ =	strace s3  }
0x95: {  	s3 =	sld [smem:$0x3FFD];
	_ =	sdelay $0x3  }
0x96: {  	_ =	strace s3  }
0x97: {  	_ =	strace $0x8FFFFFFF  }
0x98: {  	s19 =	sld [smem:$0x3FDB];
	_ =	sdelay $0x1  }
0x99: {  	s4 =	simm.s32 $_scs_section_size  }
0x9a: {  	s5 =	simm.s32 $_size__tile_overlayer_lowered;
	s6 =	simm.s32 $_tile_overlayer_lowered  }
0x9b: {  	s22 =	simm.s32 $0x1BFF;
	s21 =	sshll.u32 s6, $0x1;
	s3 =	sadd.s32 s4, s19  }
0x9c: {  	s7 =	simm.s32 $0x0;
	s20 =	sshll.u32 s5, $0x1;
	s5 =	sadd.s32 s21, s3  }
0x9d: {  	[timem:s7], [sflag:s22] =	dma.local [hbm:s5], s20  }
0x9e: {  	_ =	swait.ge [sflag:s22], s20  }
0x9f: {  	s4 =	ssub.s32 $0x0, s20;
	[sflag:s22] =	ssyncset.done $0x0  }
0xa0: {  	[sflag:s22] =	ssyncadd.s32 s4;
	_ =	sdelay $0x1  }
0xa1: {  	s23 =	simm.s32 $0x1B8B  }
0xa2: {  	_ =	swait.ge [sflag:s23], $0x1  }
0xa3: {  	[sflag:s23] =	ssyncset.done $0x0  }
0xa4: {  	s25 =	simm.s32 $0x1B8E;
	s24 =	sld [smem:$0x3FFE];
	[sflag:s23] =	ssyncadd.s32 $0xFFFFFFFF  }
0xa5: {  	s26 =	simm.s32 $execute0_lowered;
	[smem:$0x3FD2] =	sst s25  }
0xa6: {  	s5 =	sshll.u32 s26, $0x1;
	_ =	strace $0x80000049;
	[dreg:$0x1] =	wrdreg $0xFFFFFFFF  }
0xa7: {  	s28 =	simm.s32 $_size_execute0_lowered;
	s3 =	sadd.s32 s3, s5;
	[dreg:$0x0] =	wrdreg $0x0  }
0xa8: {  	s5 =	sshll.u32 s28, $0x1;
	[dreg:$0x2] =	wrdreg s3  }
0xa9: {  	[dreg:$0x3] =	wrdreg s5  }
0xaa: {  	[dreg:$0x4] =	wrdreg $0xC0  }
0xab: {  	_ =	task [dreg:s7], $0x5FFFF  }
0xac: {  	[dreg:$0x1] =	wrdreg $0xFFFFFFFF  }
0xad: {  	[dreg:$0x0] =	wrdreg $0x60  }
0xae: {  	[dreg:$0x2] =	wrdreg s2  }
0xaf: {  	[dreg:$0x3] =	wrdreg s24  }
0xb0: {  	[dreg:$0x4] =	wrdreg $0x90000  }
0xb1: {  	[dreg:$0x5] =	wrdreg $0x9  }
0xb2: {  	_ =	task.clear_ibuf [dreg:s7], $0x6FFFF;
	_ =	strace $0x90000049  }
0xb3: {  	s29 =	simm.s32 $0x9;
	_ =	strace $0x8000004B  }
0xb4: {  	_ =	swait.ge [sflag:s29], $0x1  }
0xb5: {  	[sflag:s29] =	ssyncadd.s32 $0xFFFFFFFF  }
0xb6: {  	_ =	strace $0x9000004B  }
0xb7: {  	_ =	sfence  }
0xb8: {  	s30 =	sld [smem:$0x0];
	_ =	sdelay $0x2  }
0xb9: {  	s31 =	sshll.u32 s1, $0xD;
	s1 =	sshrl.u32 s1, $0x2  }
0xba: {  	s3 =	sand.u32 $0x4000, s31;
	s1 =	sadd.s32 s1, s30  }
0xbb: {  	s0 =	sor.u32 s3, s0;
	s1 =	sshll.u32 s1, $0x11  }
0xbc: {  	s0 =	sor.u32 s1, s0  }
0xbd: {  	s0 =	sadd.s32 $0x8F2B, s0  }
0xbe: {  	[sflag:s0] =	ssyncadd.remote.s32 $0x1  }
0xbf: {  	_ =	sfence.sel $0xFFFF  }
0xc0: {  	[dreg:$0x0] =	wrdreg $0xFFFFFFFF;
	(pc) =	sbr.abs _section_cstart, $3  }
0xc1: {  	[dreg:$0x1] =	wrdreg $0xFFFFFFFF  }
0xc2: {  	_ =	task.clear_ibuf [dreg:s7], $0x2FFFF;
	_ =	strace $0x9FFFFFFF  }
0xc3: {  	(tm) =	ssettm $0x7FFFFFFF  }
tec
execute0_lowered:
.L_overlay_start_1:
0x0: {  	(tag) =	ssettag $0x1  }
0x1: {  	s1 =	rddreg [dreg:$0x0]  }
0x2: {  	s6 =	rddreg [dreg:$0x1]  }
0x3: {  	s0 =	srdreg.scid;
	s3 =	rddreg [dreg:$0x2];
	s12 =	simm.s32 $0x2  }
0x4: {  	s13 =	simm.s32 $0x80;
	s14 =	simm.s32 $0x400;
	s5 =	sand.u32 $0x1, s0  }
0x5: {  	s15 =	simm.s32 $0x2800;
	s0 =	stileid.u32;
	s9 =	smul.u32 $0x140000, s5  }
0x6: {  	s16 =	simm.s32 $0x1;
	s2 =	sshll.u32 s5, $0x4;
	s24 =	smul.u32 $0x14000, s0  }
0x7: {  	s4 =	sshll.u32 s0, $0x7;
	s10 =	smul.u32 $0x50000, s0;
	s26 =	ssub.s32 $0x2, s5  }
0x8: {  	s17 =	sshll.u32 s0, $0x6;
	s2 =	sor.u32 s0, s2;
	s8 =	sand.u32 $0x380, s4  }
0x9: {  	s4 =	simm.s32 $0x0;
	s30 =	sshrl.u32 s26, $0x1;
	s2 =	sshrl.u32 s2, $0x3  }
0xa: {  	s17 =	sor.u32 $0x1C02, s17;
	[smem:$0x7FF] =	sst s4;
	s7 =	smul.u32 $0x14000, s2  }
0xb: {  	s25 =	sadd.s32 s24, s9;
	s28 =	sshrl.u32 s10, $0x2;
	s31 =	ssub.s32 s26, s30  }
0xc: {  	s2 =	rddreg [dreg:$0x3];
	_ =	strace $0x8000004A;
	s7 =	sor.u32 s8, s7  }
0xd: {  	s5 =	sadd.s32 s28, s3;
	s10 =	smax.u32 s31, $0x1;
	s7 =	sshrl.u32 s7, $0x3  }
0xe: {  	s18 =	sshrl.u32 s5, $0x3;
	s11 =	sadd.s32 s7, s6;
	s7 =	sshrl.u32 s25, $0x3  }
0xf: {  	s29 =	sadd.s32 s7, s6;
	s6 =	sadd.s32 $0x4000, s5;
	s7 =	sadd.s32 $0x2600, s11  }
0x10: {  	v0 =	vimm.f32 $0.0e+00;
	s8 =	sadd.s32 $0xC600, s11;
	s11 =	simm.s32 $0x5000;
	s9 =	sadd.s32 $0x16600, s29  }
.LBB2_1:
0x11: {  	s19 =	simm.s32 $0x0;
	s20 =	simm.s32 $0x200  }
.LBB2_2:
0x12: {  	p0 =	sne.s32 s20, $0xFE00;
	[tilespmem:s19+$0x5070] =	vst v0  }
0x13: {  	[tilespmem:s19+$0x5000] =	vst v0  }
0x14: {  	[tilespmem:s19+$0x5010] =	vst v0  }
.Ltmp0:
0x15: {  	[tilespmem:s19+$0x5020] =	vst v0;
	(pc) =	sbr.rel @p0 .LBB2_2-.Ltmp0, $4  }
0x16: {  	[tilespmem:s19+$0x5030] =	vst v0  }
0x17: {  	[tilespmem:s19+$0x5040] =	vst v0  }
0x18: {  	[tilespmem:s19+$0x5050] =	vst v0  }
0x19: {  	[tilespmem:s19+$0x5060] =	vst v0;
	s19 =	sshra.s32 s20, $0x2;
	s20 =	sadd.s32 $0x200, s20  }
0x1a: {  	[tilespmem:s19+$0x5070] =	vst v0  }
0x1b: {  	[tilespmem:s19+$0x5000] =	vst v0  }
0x1c: {  	[tilespmem:s19+$0x5010] =	vst v0  }
0x1d: {  	[tilespmem:s19+$0x5020] =	vst v0  }
0x1e: {  	[tilespmem:s19+$0x5030] =	vst v0  }
0x1f: {  	[tilespmem:s19+$0x5040] =	vst v0  }
0x20: {  	[tilespmem:s19+$0x5050] =	vst v0  }
0x21: {  	[tilespmem:s19+$0x5060] =	vst v0  }
0x22: {  	[spmem:s5] =	stream.linear.scatter [tilespmem:s11], [sflag:$0x2], $0x4000, $0x38;
	[tilespmem:$0x1D000] =	vst v63  }
0x23: {  	_ =	swait.ge [sflag:s12], $0x4000  }
0x24: {  	[sflag:s12] =	ssyncset.done $0x0  }
0x25: {  	[sflag:s12] =	ssyncadd.s32 $0xFFFFC000  }
0x26: {  	[spmem:s6] =	stream.linear.scatter [tilespmem:s11], [sflag:$0x2], $0x10000, $0x38;
	[tilespmem:$0x1D000] =	vst v63  }
0x27: {  	_ =	swait.ge [sflag:s12], $0x10000  }
0x28: {  	[sflag:s12] =	ssyncset.done $0x0  }
0x29: {  	[sflag:s12] =	ssyncadd.s32 $0xFFFF0000  }
0x2a: {  	s29 =	simm.s32 $0x0;
	[bflag:$0x0] =	sbarrier.arrive $0xFFFF  }
0x2b: {  	[tilespmem:s29], [sflag:$0x2] =	stream.strided.gather [hbm4b:s7+s13], $0x2800, s14, s13, $0x38;
	[tilespmem:$0x1D000] =	vst v63  }
0x2c: {  	_ =	swait.ge [sflag:s12], $0x2800  }
0x2d: {  	[sflag:s12] =	ssyncset.done $0x0  }
0x2e: {  	[sflag:s12] =	ssyncadd.s32 $0xFFFFD800  }
0x2f: {  	[tilespmem:s15], [sflag:$0x2] =	stream.strided.gather [hbm4b:s8+s13], $0x2800, s14, s13, $0x38;
	[tilespmem:$0x1D000] =	vst v63  }
0x30: {  	_ =	swait.ge [sflag:s12], $0x2800  }
0x31: {  	[sflag:s12] =	ssyncset.done $0x0  }
0x32: {  	s30 =	simm.s32 $0x0;
	[sflag:s12] =	ssyncadd.s32 $0xFFFFD800  }
0x33: {  	[tilespmem:s11], [sflag:$0x1] =	stream.indirect.gather [hbm4b:s1+s13], $0x80, s30, s13, $0xb8;
	[tilespmem:$0x1D000] =	vst v63  }
0x34: {  	_ =	swait.ge [sflag:s16], $0x4000  }
0x35: {  	[sflag:s16] =	ssyncset.done $0x0  }
0x36: {  	s31 =	simm.s32 $0x2800;
	[sflag:s16] =	ssyncadd.s32 $0xFFFFC000  }
0x37: {  	[spmem:s3] =	stream.indirect.scatter.add.f32 [tilespmem:s11], [sflag:$0x2], $0x80, s31, s13, $0xb8;
	[tilespmem:$0x1D000] =	vst v63  }
0x38: {  	_ =	swait.ge [sflag:s12], $0x4000  }
0x39: {  	s19 =	simm.s32 $0x200;
	s20 =	simm.s32 $0x400;
	[sflag:s12] =	ssyncset.done $0x0  }
.LBB2_4:
0x3a: {  	s21 =	sshra.s32 s19, $0x2  }
0x3b: {  	[sflag:s12] =	ssyncadd.s32 $0xFFFFC000;
	s19 =	smov.u32 s20;
	s22 =	sadd.s32 $0x200, s20  }
0x3c: {  	[tilespmem:s11], [sflag:$0x1] =	stream.indirect.gather [hbm4b:s1+s13], $0x80, s21, s13, $0xb8;
	[tilespmem:$0x1D000] =	vst v63  }
0x3d: {  	p0 =	sne.s32 s20, $0x9E00;
	_ =	swait.ge [sflag:s16], $0x4000  }
.Ltmp1:
0x3e: {  	[sflag:s16] =	ssyncset.done $0x0;
	(pc) =	sbr.rel @p0 .LBB2_4-.Ltmp1, $4  }
0x3f: {  	s20 =	sadd.s32 $0x2800, s21;
	[sflag:s16] =	ssyncadd.s32 $0xFFFFC000  }
0x40: {  	[spmem:s3] =	stream.indirect.scatter.add.f32 [tilespmem:s11], [sflag:$0x2], $0x80, s20, s13, $0xb8;
	[tilespmem:$0x1D000] =	vst v63  }
0x41: {  	_ =	swait.ge [sflag:s12], $0x4000  }
0x42: {  	s20 =	smov.u32 s22;
	[sflag:s12] =	ssyncset.done $0x0  }
0x43: {  	s19 =	sshra.s32 s19, $0x2;
	[sflag:s12] =	ssyncadd.s32 $0xFFFFC000  }
0x44: {  	[tilespmem:s11], [sflag:$0x1] =	stream.indirect.gather [hbm4b:s1+s13], $0x80, s19, s13, $0xb8;
	[tilespmem:$0x1D000] =	vst v63  }
0x45: {  	_ =	swait.ge [sflag:s16], $0x4000  }
0x46: {  	[sflag:s16] =	ssyncset.done $0x0  }
0x47: {  	s19 =	sadd.s32 $0x2800, s19;
	[sflag:s16] =	ssyncadd.s32 $0xFFFFC000  }
0x48: {  	[spmem:s3] =	stream.indirect.scatter.add.f32 [tilespmem:s11], [sflag:$0x2], $0x80, s19, s13, $0xb8;
	[tilespmem:$0x1D000] =	vst v63  }
0x49: {  	_ =	swait.ge [sflag:s12], $0x4000  }
0x4a: {  	s4 =	sadd.s32 $0x1, s4;
	[sflag:s12] =	ssyncset.done $0x0  }
0x4b: {  	p0 =	sne.s32 s4, s10;
	[sflag:s12] =	ssyncadd.s32 $0xFFFFC000  }
.Ltmp2:
0x4c: {  	[bflag:$0x0] =	sbarrier.arrive $0xFFFF;
	(pc) =	sbr.rel @p0 .LBB2_1-.Ltmp2, $4  }
0x4d: {  	[hbm:s9], [sflag:s17] =	dma.local [spmem:s18], $0x2800  }
0x4e: {  	_ =	swait.ge [sflag:s12], $0x2800  }
0x4f: {  	[sflag:s12] =	ssyncset.done $0x0  }
0x50: {  	[sflag:s12] =	ssyncadd.s32 $0xFFFFD800  }
0x51: {  	_ =	sfence.sel $0x180000  }
0x52: {  	[bflag:$0x0] =	sbarrier.arrive $0xFFFF  }
0x53: {  	p0 =	sne.s32 s0, $0x0;
	_ =	strace $0x9000004A  }
0x54: {  	s0 =	sadd.s32 @!p0 $0x100000, s2;
	[bflag:$0x2] =	sbarrier.arrive $0xFFFF  }
0x55: {  	[sflag:s0] =	ssyncadd.tile.s32 @!p0 $0x1;
	_ =	shalt  }
.Lfunc_end2:
_tile_overlayer_lowered:
.L_overlay_start_2:
0x56: {  	(tag) =	ssettag $0x2  }
0x57: {  	s0 =	rddreg [dreg:$0x0];
	s2 =	stileid.u32  }
0x58: {  	s1 =	rddreg [dreg:$0x1];
	p0 =	sne.s32 s2, $0x0  }
0x59: {  	s3 =	rddreg [dreg:$0x2];
	[bflag:$0x3] =	sbarrier.arrive $0xFFFF;
	s2 =	simm.s32 @!p0 $0x1C02  }
0x5a: {  	[timem:s3], [sflag:s2] =	dma.local @!p0 [hbm:s0], s1  }
0x5b: {  	s0 =	simm.s32 @!p0 $0x2  }
0x5c: {  	_ =	swait.ge @!p0 [sflag:s0], s1  }
0x5d: {  	s1 =	ssub.s32 @!p0 $0x0, s1;
	[sflag:s0] =	ssyncset.done @!p0 $0x0  }
0x5e: {  	[sflag:s0] =	ssyncadd.s32 @!p0 s1  }
0x5f: {  	[bflag:$0x3] =	sbarrier.arrive $0xFFFF  }
0x60: {  	_ =	shalt  }

// kernel: kernel.14.cloned.1.call-start
scs
__scs_entry_jumppad:
0x0: {  	(pc) =	sbr.rel $0x88, $3  }
0x1: {  	(tag) =	ssettag $0x0;
	lr =	simm.s32 $0x1  }
0x2: {  	[smem:$0x3F96] =	sst lr;
	_ =	strace $0xD0000000  }
0x3: {  	_ = 	snop  }
0x4: {  	_ = 	snop  }
0x5: {  	_ = 	snop  }
0x6: {  	_ = 	snop  }
0x7: {  	_ = 	snop  }
__scs_overlays_trampoline_lowered:
0x8: {  	[smem:$0x3FA5] =	sst s0  }
0x9: {  	[smem:$0x3FA6] =	sst s1  }
0xa: {  	[smem:$0x3FA7] =	sst s2  }
0xb: {  	[smem:$0x3FA8] =	sst s3  }
0xc: {  	[smem:$0x3FA9] =	sst s4  }
0xd: {  	[smem:$0x3FAA] =	sst s5  }
0xe: {  	[smem:$0x3FAB] =	sst s6  }
0xf: {  	[smem:$0x3FAC] =	sst s7  }
0x10: {  	[smem:$0x3FAD] =	sst s8  }
0x11: {  	[smem:$0x3FAE] =	sst s9;
	s0 =	simm.s32 @!p0 $0x0  }
0x12: {  	s1 =	sld [smem:$0x3F94];
	s0 =	simm.s32 @p0 $0x1  }
0x13: {  	[smem:$0x3FAF] =	sst s0;
	s0 =	simm.s32 @!p1 $0x0  }
0x14: {  	s2 =	sld [smem:$0x3F93];
	s0 =	simm.s32 @p1 $0x1  }
0x15: {  	[smem:$0x3FB0] =	sst s0;
	s0 =	simm.s32 @!p2 $0x0  }
0x16: {  	s3 =	sld [smem:$0x3FDB];
	s0 =	simm.s32 @p2 $0x1  }
0x17: {  	s4 =	simm.s32 $0x1BF5;
	[smem:$0x3FB2] =	sst s0  }
0x18: {  	s0 =	sld [smem:$0x3F95];
	_ =	swait.ge [sflag:s4], $0x0  }
0x19: {  	s7 =	sld [smem:$0x3F96]  }
0x1a: {  	s8 =	sadd.s32 $0xFFFFE003, lr  }
0x1b: {  	s9 =	sadd.s32 $0xFFFFFEF7, lr;
	s5 =	simm.s32 $0xFFFFFFFF;
	p2 =	slt.u32 s8, $0xFFFFF086  }
0x1c: {  	p1 =	slt.u32 s9, $0xF7A;
	s5 =	simm.s32 @!p2 $0x0  }
0x1d: {  	s5 =	simm.s32 @p1 $0x1;
	p0 =	seq.s32 s7, s2  }
0x1e: {  	s7 =	smul.u32 @!p0 $0xF7A, s2;
	p2 =	seq.s32 @!p0 s5, $0x0  }
0x1f: {  	s9 =	smul.u32 $0xF7A, s1;
	s8 =	simm.s32 @!p0 $0x1BF5;
	p2 =	por !p2, p0  }
0x20: {  	[sflag:s8] =	ssyncset.s32 @!p0 $0xFFFFF086;
	s6 =	sadd.s32 @!p0 s3, s7;
	s7 =	simm.s32 @!p0 $0x108  }
0x21: {  	s3 =	sadd.s32 s3, s9;
	s6 =	sadd.s32 @!p0 $0x88, s6;
	s7 =	simm.s32 @p2 $0x1082  }
0x22: {  	[simem:s7], [sflag:s8] =	dma.local @!p0 [hbm:s6], $0xF7A  }
0x23: {  	s9 =	sor.u32 $0xD0000000, s2;
	s6 =	simm.s32 $0x108;
	_ =	swait.ge @!p0 [sflag:s8], $0x0  }
0x24: {  	s3 =	sadd.s32 $0x88, s3;
	s6 =	simm.s32 @!p1 $0x1082;
	[sflag:s4] =	ssyncset.s32 $0xFFFFF086  }
0x25: {  	[simem:s6], [sflag:s4] =	dma.local [hbm:s3], $0xF7A  }
0x26: {  	[smem:$0x3F96] =	sst s1;
	(tag) =	ssettag s2;
	_ =	strace s9  }
0x27: {  	s1 =	sld [smem:$0x3FA6]  }
0x28: {  	s2 =	sld [smem:$0x3FA7]  }
0x29: {  	s4 =	sld [smem:$0x3FA9]  }
0x2a: {  	p0 =	seq.s32 s5, $0x0;
	s5 =	sld [smem:$0x3FAA]  }
0x2b: {  	s6 =	sld [smem:$0x3FAB]  }
0x2c: {  	s7 =	sld [smem:$0x3FAC]  }
0x2d: {  	s3 =	simm.s32 $0x108;
	s8 =	sld [smem:$0x3FAD]  }
0x2e: {  	s3 =	simm.s32 @!p0 $0x1082;
	s9 =	sld [smem:$0x3FAE]  }
0x2f: {  	lr =	sadd.s32 s0, s3;
	s0 =	sld [smem:$0x3FA5]  }
0x30: {  	s3 =	sld [smem:$0x3FA8]  }
0x31: {  	[smem:$0x3FB1] =	sst s10  }
0x32: {  	s10 =	sld [smem:$0x3FAF];
	_ =	sdelay $0x3  }
0x33: {  	p0 =	seq.s32 s10, $0x1;
	s10 =	sld [smem:$0x3FB1];
	_ =	sdelay $0x3  }
0x34: {  	[smem:$0x3FB1] =	sst s10  }
0x35: {  	s10 =	sld [smem:$0x3FB0];
	_ =	sdelay $0x3  }
0x36: {  	p1 =	seq.s32 s10, $0x1;
	s10 =	sld [smem:$0x3FB1];
	_ =	sdelay $0x3  }
0x37: {  	[smem:$0x3FB1] =	sst s10  }
0x38: {  	s10 =	sld [smem:$0x3FB2]  }
0x39: {  	_ = 	snop;
	(pc) =	sbr.ind lr, $3  }
0x3a: {  	_ = 	snop  }
0x3b: {  	_ = 	snop  }
0x3c: {  	p2 =	seq.s32 s10, $0x1;
	s10 =	sld [smem:$0x3FB1]  }
0x3d: {  	_ =	shalt  }
0x3e: {  	_ =	shalt  }
0x3f: {  	_ =	shalt  }
0x40: {  	_ =	shalt  }
0x41: {  	_ =	shalt  }
0x42: {  	_ =	shalt  }
0x43: {  	_ =	shalt  }
0x44: {  	_ =	shalt  }
0x45: {  	_ =	shalt  }
0x46: {  	_ =	shalt  }
0x47: {  	_ =	shalt  }
0x48: {  	_ =	shalt  }
0x49: {  	_ =	shalt  }
0x4a: {  	_ =	shalt  }
0x4b: {  	_ =	shalt  }
0x4c: {  	_ =	shalt  }
0x4d: {  	_ =	shalt  }
0x4e: {  	_ =	shalt  }
0x4f: {  	_ =	shalt  }
0x50: {  	_ =	shalt  }
0x51: {  	_ =	shalt  }
0x52: {  	_ =	shalt  }
0x53: {  	_ =	shalt  }
0x54: {  	_ =	shalt  }
0x55: {  	_ =	shalt  }
0x56: {  	_ =	shalt  }
0x57: {  	_ =	shalt  }
0x58: {  	_ =	shalt  }
0x59: {  	_ =	shalt  }
0x5a: {  	_ =	shalt  }
0x5b: {  	_ =	shalt  }
0x5c: {  	_ =	shalt  }
0x5d: {  	_ =	shalt  }
0x5e: {  	_ =	shalt  }
0x5f: {  	_ =	shalt  }
0x60: {  	_ =	shalt  }
0x61: {  	_ =	shalt  }
0x62: {  	_ =	shalt  }
0x63: {  	_ =	shalt  }
0x64: {  	_ =	shalt  }
0x65: {  	_ =	shalt  }
0x66: {  	_ =	shalt  }
0x67: {  	_ =	shalt  }
0x68: {  	_ =	shalt  }
0x69: {  	_ =	shalt  }
0x6a: {  	_ =	shalt  }
0x6b: {  	_ =	shalt  }
0x6c: {  	_ =	shalt  }
0x6d: {  	_ =	shalt  }
0x6e: {  	_ =	shalt  }
0x6f: {  	_ =	shalt  }
0x70: {  	_ =	shalt  }
0x71: {  	_ =	shalt  }
0x72: {  	_ =	shalt  }
0x73: {  	_ =	shalt  }
0x74: {  	_ =	shalt  }
0x75: {  	_ =	shalt  }
0x76: {  	_ =	shalt  }
0x77: {  	_ =	shalt  }
0x78: {  	_ =	shalt  }
0x79: {  	_ =	shalt  }
0x7a: {  	_ =	shalt  }
0x7b: {  	_ =	shalt  }
0x7c: {  	_ =	shalt  }
0x7d: {  	_ =	shalt  }
0x7e: {  	_ =	shalt  }
0x7f: {  	_ =	shalt  }
0x80: {  	_ =	shalt  }
0x81: {  	_ =	shalt  }
0x82: {  	_ =	shalt  }
0x83: {  	_ =	shalt  }
0x84: {  	_ =	shalt  }
0x85: {  	_ =	shalt  }
0x86: {  	_ =	shalt  }
0x87: {  	_ =	shalt  }
.Lfunc_end0:
.L_simem_size_0:
called_computation.2_lowered:
.L_overlay_start_0:
0x88: {  	s2 =	sld [smem:$0x3FD9]  }
0x89: {  	s3 =	sld [smem:$0x3FFE];
	_ =	sdelay $0x1  }
0x8a: {  	s1 =	srdreg.scid  }
0x8b: {  	s0 =	sand.u32 $0x1, s1  }
0x8c: {  	s17 =	sshll.u32 s0, $0xA;
	s2 =	sadd.s32 s3, s2  }
0x8d: {  	s2 =	sadd.s32 s2, s17  }
0x8e: {  	[smem:$0x3FBD] =	sst s2  }
0x8f: {  	_ = 	snop  }
0x90: {  	s2 =	sld [smem:$0x3FD0];
	(tm) =	ssettm $0x1  }
0x91: {  	s18 =	sld [smem:$0x3FFB];
	_ =	sdelay $0x3  }
0x92: {  	_ =	strace s18  }
0x93: {  	s3 =	sld [smem:$0x3FFC];
	_ =	sdelay $0x3  }
0x94: {  	_ =	strace s3  }
0x95: {  	s3 =	sld [smem:$0x3FFD];
	_ =	sdelay $0x3  }
0x96: {  	_ =	strace s3  }
0x97: {  	_ =	strace $0x8FFFFFFF  }
0x98: {  	s19 =	sld [smem:$0x3FDB];
	_ =	sdelay $0x1  }
0x99: {  	s4 =	simm.s32 $_scs_section_size  }
0x9a: {  	s5 =	simm.s32 $_size__tile_overlayer_lowered;
	s6 =	simm.s32 $_tile_overlayer_lowered  }
0x9b: {  	s22 =	simm.s32 $0x1BFF;
	s21 =	sshll.u32 s6, $0x1;
	s3 =	sadd.s32 s4, s19  }
0x9c: {  	s7 =	simm.s32 $0x0;
	s20 =	sshll.u32 s5, $0x1;
	s5 =	sadd.s32 s21, s3  }
0x9d: {  	[timem:s7], [sflag:s22] =	dma.local [hbm:s5], s20  }
0x9e: {  	_ =	swait.ge [sflag:s22], s20  }
0x9f: {  	s4 =	ssub.s32 $0x0, s20;
	[sflag:s22] =	ssyncset.done $0x0  }
0xa0: {  	[sflag:s22] =	ssyncadd.s32 s4;
	_ =	sdelay $0x1  }
0xa1: {  	s23 =	simm.s32 $0x1B8B  }
0xa2: {  	_ =	swait.ge [sflag:s23], $0x1  }
0xa3: {  	[sflag:s23] =	ssyncset.done $0x0  }
0xa4: {  	s25 =	simm.s32 $0x1B8E;
	s24 =	sld [smem:$0x3FFE];
	[sflag:s23] =	ssyncadd.s32 $0xFFFFFFFF  }
0xa5: {  	s26 =	simm.s32 $execute0_lowered;
	[smem:$0x3FD2] =	sst s25  }
0xa6: {  	s5 =	sshll.u32 s26, $0x1;
	_ =	strace $0x8000004C;
	[dreg:$0x1] =	wrdreg $0xFFFFFFFF  }
0xa7: {  	s28 =	simm.s32 $_size_execute0_lowered;
	s3 =	sadd.s32 s3, s5;
	[dreg:$0x0] =	wrdreg $0x0  }
0xa8: {  	s5 =	sshll.u32 s28, $0x1;
	[dreg:$0x2] =	wrdreg s3  }
0xa9: {  	[dreg:$0x3] =	wrdreg s5  }
0xaa: {  	[dreg:$0x4] =	wrdreg $0xC0  }
0xab: {  	_ =	task [dreg:s7], $0x5FFFF  }
0xac: {  	[dreg:$0x1] =	wrdreg $0xFFFFFFFF  }
0xad: {  	[dreg:$0x0] =	wrdreg $0x60  }
0xae: {  	[dreg:$0x2] =	wrdreg s2  }
0xaf: {  	[dreg:$0x3] =	wrdreg s24  }
0xb0: {  	[dreg:$0x4] =	wrdreg $0x90000  }
0xb1: {  	[dreg:$0x5] =	wrdreg $0x9  }
0xb2: {  	_ =	task.clear_ibuf [dreg:s7], $0x6FFFF;
	_ =	strace $0x9000004C  }
0xb3: {  	s29 =	simm.s32 $0x9;
	_ =	strace $0x8000004E  }
0xb4: {  	_ =	swait.ge [sflag:s29], $0x1  }
0xb5: {  	[sflag:s29] =	ssyncadd.s32 $0xFFFFFFFF  }
0xb6: {  	_ =	strace $0x9000004E  }
0xb7: {  	_ =	sfence  }
0xb8: {  	s30 =	sld [smem:$0x0];
	_ =	sdelay $0x2  }
0xb9: {  	s31 =	sshll.u32 s1, $0xD;
	s1 =	sshrl.u32 s1, $0x2  }
0xba: {  	s3 =	sand.u32 $0x4000, s31;
	s1 =	sadd.s32 s1, s30  }
0xbb: {  	s0 =	sor.u32 s3, s0;
	s1 =	sshll.u32 s1, $0x11  }
0xbc: {  	s0 =	sor.u32 s1, s0  }
0xbd: {  	s0 =	sadd.s32 $0x8F2B, s0  }
0xbe: {  	[sflag:s0] =	ssyncadd.remote.s32 $0x1  }
0xbf: {  	_ =	sfence.sel $0xFFFF  }
0xc0: {  	[dreg:$0x0] =	wrdreg $0xFFFFFFFF;
	(pc) =	sbr.abs _section_cstart, $3  }
0xc1: {  	[dreg:$0x1] =	wrdreg $0xFFFFFFFF  }
0xc2: {  	_ =	task.clear_ibuf [dreg:s7], $0x2FFFF;
	_ =	strace $0x9FFFFFFF  }
0xc3: {  	(tm) =	ssettm $0x7FFFFFFF  }
tec
execute0_lowered:
.L_overlay_start_1:
0x0: {  	(tag) =	ssettag $0x1  }
0x1: {  	s1 =	rddreg [dreg:$0x0]  }
0x2: {  	s6 =	rddreg [dreg:$0x1]  }
0x3: {  	s0 =	srdreg.scid;
	s3 =	rddreg [dreg:$0x2];
	s12 =	simm.s32 $0x2  }
0x4: {  	s13 =	simm.s32 $0x80;
	s14 =	simm.s32 $0x400;
	s5 =	sand.u32 $0x1, s0  }
0x5: {  	s15 =	simm.s32 $0x2800;
	s0 =	stileid.u32;
	s9 =	smul.u32 $0x140000, s5  }
0x6: {  	s16 =	simm.s32 $0x1;
	s2 =	sshll.u32 s5, $0x4;
	s24 =	smul.u32 $0x14000, s0  }
0x7: {  	s4 =	sshll.u32 s0, $0x7;
	s10 =	smul.u32 $0x50000, s0;
	s26 =	ssub.s32 $0x2, s5  }
0x8: {  	s17 =	sshll.u32 s0, $0x6;
	s2 =	sor.u32 s0, s2;
	s8 =	sand.u32 $0x380, s4  }
0x9: {  	s4 =	simm.s32 $0x0;
	s30 =	sshrl.u32 s26, $0x1;
	s2 =	sshrl.u32 s2, $0x3  }
0xa: {  	s17 =	sor.u32 $0x1C02, s17;
	[smem:$0x7FF] =	sst s4;
	s7 =	smul.u32 $0x14000, s2  }
0xb: {  	s25 =	sadd.s32 s24, s9;
	s28 =	sshrl.u32 s10, $0x2;
	s31 =	ssub.s32 s26, s30  }
0xc: {  	s2 =	rddreg [dreg:$0x3];
	_ =	strace $0x8000004D;
	s7 =	sor.u32 s8, s7  }
0xd: {  	s5 =	sadd.s32 s28, s3;
	s10 =	smax.u32 s31, $0x1;
	s7 =	sshrl.u32 s7, $0x3  }
0xe: {  	s18 =	sshrl.u32 s5, $0x3;
	s11 =	sadd.s32 s7, s6;
	s7 =	sshrl.u32 s25, $0x3  }
0xf: {  	s29 =	sadd.s32 s7, s6;
	s6 =	sadd.s32 $0x4000, s5;
	s7 =	sadd.s32 $0x2600, s11  }
0x10: {  	v0 =	vimm.f32 $0.0e+00;
	s8 =	sadd.s32 $0xC600, s11;
	s11 =	simm.s32 $0x5000;
	s9 =	sadd.s32 $0x16600, s29  }
.LBB2_1:
0x11: {  	s19 =	simm.s32 $0x0;
	s20 =	simm.s32 $0x200  }
.LBB2_2:
0x12: {  	p0 =	sne.s32 s20, $0xFE00;
	[tilespmem:s19+$0x5070] =	vst v0  }
0x13: {  	[tilespmem:s19+$0x5000] =	vst v0  }
0x14: {  	[tilespmem:s19+$0x5010] =	vst v0  }
.Ltmp0:
0x15: {  	[tilespmem:s19+$0x5020] =	vst v0;
	(pc) =	sbr.rel @p0 .LBB2_2-.Ltmp0, $4  }
0x16: {  	[tilespmem:s19+$0x5030] =	vst v0  }
0x17: {  	[tilespmem:s19+$0x5040] =	vst v0  }
0x18: {  	[tilespmem:s19+$0x5050] =	vst v0  }
0x19: {  	[tilespmem:s19+$0x5060] =	vst v0;
	s19 =	sshra.s32 s20, $0x2;
	s20 =	sadd.s32 $0x200, s20  }
0x1a: {  	[tilespmem:s19+$0x5070] =	vst v0  }
0x1b: {  	[tilespmem:s19+$0x5000] =	vst v0  }
0x1c: {  	[tilespmem:s19+$0x5010] =	vst v0  }
0x1d: {  	[tilespmem:s19+$0x5020] =	vst v0  }
0x1e: {  	[tilespmem:s19+$0x5030] =	vst v0  }
0x1f: {  	[tilespmem:s19+$0x5040] =	vst v0  }
0x20: {  	[tilespmem:s19+$0x5050] =	vst v0  }
0x21: {  	[tilespmem:s19+$0x5060] =	vst v0  }
0x22: {  	[spmem:s5] =	stream.linear.scatter [tilespmem:s11], [sflag:$0x2], $0x4000, $0x38;
	[tilespmem:$0x1D000] =	vst v63  }
0x23: {  	_ =	swait.ge [sflag:s12], $0x4000  }
0x24: {  	[sflag:s12] =	ssyncset.done $0x0  }
0x25: {  	[sflag:s12] =	ssyncadd.s32 $0xFFFFC000  }
0x26: {  	[spmem:s6] =	stream.linear.scatter [tilespmem:s11], [sflag:$0x2], $0x10000, $0x38;
	[tilespmem:$0x1D000] =	vst v63  }
0x27: {  	_ =	swait.ge [sflag:s12], $0x10000  }
0x28: {  	[sflag:s12] =	ssyncset.done $0x0  }
0x29: {  	[sflag:s12] =	ssyncadd.s32 $0xFFFF0000  }
0x2a: {  	s29 =	simm.s32 $0x0;
	[bflag:$0x0] =	sbarrier.arrive $0xFFFF  }
0x2b: {  	[tilespmem:s29], [sflag:$0x2] =	stream.strided.gather [hbm4b:s7+s13], $0x2800, s14, s13, $0x38;
	[tilespmem:$0x1D000] =	vst v63  }
0x2c: {  	_ =	swait.ge [sflag:s12], $0x2800  }
0x2d: {  	[sflag:s12] =	ssyncset.done $0x0  }
0x2e: {  	[sflag:s12] =	ssyncadd.s32 $0xFFFFD800  }
0x2f: {  	[tilespmem:s15], [sflag:$0x2] =	stream.strided.gather [hbm4b:s8+s13], $0x2800, s14, s13, $0x38;
	[tilespmem:$0x1D000] =	vst v63  }
0x30: {  	_ =	swait.ge [sflag:s12], $0x2800  }
0x31: {  	[sflag:s12] =	ssyncset.done $0x0  }
0x32: {  	s30 =	simm.s32 $0x0;
	[sflag:s12] =	ssyncadd.s32 $0xFFFFD800  }
0x33: {  	[tilespmem:s11], [sflag:$0x1] =	stream.indirect.gather [hbm4b:s1+s13], $0x80, s30, s13, $0xb8;
	[tilespmem:$0x1D000] =	vst v63  }
0x34: {  	_ =	swait.ge [sflag:s16], $0x4000  }
0x35: {  	[sflag:s16] =	ssyncset.done $0x0  }
0x36: {  	s31 =	simm.s32 $0x2800;
	[sflag:s16] =	ssyncadd.s32 $0xFFFFC000  }
0x37: {  	[spmem:s3] =	stream.indirect.scatter.add.f32 [tilespmem:s11], [sflag:$0x2], $0x80, s31, s13, $0xb8;
	[tilespmem:$0x1D000] =	vst v63  }
0x38: {  	_ =	swait.ge [sflag:s12], $0x4000  }
0x39: {  	s19 =	simm.s32 $0x200;
	s20 =	simm.s32 $0x400;
	[sflag:s12] =	ssyncset.done $0x0  }
.LBB2_4:
0x3a: {  	s21 =	sshra.s32 s19, $0x2  }
0x3b: {  	[sflag:s12] =	ssyncadd.s32 $0xFFFFC000;
	s19 =	smov.u32 s20;
	s22 =	sadd.s32 $0x200, s20  }
0x3c: {  	[tilespmem:s11], [sflag:$0x1] =	stream.indirect.gather [hbm4b:s1+s13], $0x80, s21, s13, $0xb8;
	[tilespmem:$0x1D000] =	vst v63  }
0x3d: {  	p0 =	sne.s32 s20, $0x9E00;
	_ =	swait.ge [sflag:s16], $0x4000  }
.Ltmp1:
0x3e: {  	[sflag:s16] =	ssyncset.done $0x0;
	(pc) =	sbr.rel @p0 .LBB2_4-.Ltmp1, $4  }
0x3f: {  	s20 =	sadd.s32 $0x2800, s21;
	[sflag:s16] =	ssyncadd.s32 $0xFFFFC000  }
0x40: {  	[spmem:s3] =	stream.indirect.scatter.add.f32 [tilespmem:s11], [sflag:$0x2], $0x80, s20, s13, $0xb8;
	[tilespmem:$0x1D000] =	vst v63  }
0x41: {  	_ =	swait.ge [sflag:s12], $0x4000  }
0x42: {  	s20 =	smov.u32 s22;
	[sflag:s12] =	ssyncset.done $0x0  }
0x43: {  	s19 =	sshra.s32 s19, $0x2;
	[sflag:s12] =	ssyncadd.s32 $0xFFFFC000  }
0x44: {  	[tilespmem:s11], [sflag:$0x1] =	stream.indirect.gather [hbm4b:s1+s13], $0x80, s19, s13, $0xb8;
	[tilespmem:$0x1D000] =	vst v63  }
0x45: {  	_ =	swait.ge [sflag:s16], $0x4000  }
0x46: {  	[sflag:s16] =	ssyncset.done $0x0  }
0x47: {  	s19 =	sadd.s32 $0x2800, s19;
	[sflag:s16] =	ssyncadd.s32 $0xFFFFC000  }
0x48: {  	[spmem:s3] =	stream.indirect.scatter.add.f32 [tilespmem:s11], [sflag:$0x2], $0x80, s19, s13, $0xb8;
	[tilespmem:$0x1D000] =	vst v63  }
0x49: {  	_ =	swait.ge [sflag:s12], $0x4000  }
0x4a: {  	s4 =	sadd.s32 $0x1, s4;
	[sflag:s12] =	ssyncset.done $0x0  }
0x4b: {  	p0 =	sne.s32 s4, s10;
	[sflag:s12] =	ssyncadd.s32 $0xFFFFC000  }
.Ltmp2:
0x4c: {  	[bflag:$0x0] =	sbarrier.arrive $0xFFFF;
	(pc) =	sbr.rel @p0 .LBB2_1-.Ltmp2, $4  }
0x4d: {  	[hbm:s9], [sflag:s17] =	dma.local [spmem:s18], $0x2800  }
0x4e: {  	_ =	swait.ge [sflag:s12], $0x2800  }
0x4f: {  	[sflag:s12] =	ssyncset.done $0x0  }
0x50: {  	[sflag:s12] =	ssyncadd.s32 $0xFFFFD800  }
0x51: {  	_ =	sfence.sel $0x180000  }
0x52: {  	[bflag:$0x0] =	sbarrier.arrive $0xFFFF  }
0x53: {  	p0 =	sne.s32 s0, $0x0;
	_ =	strace $0x9000004D  }
0x54: {  	s0 =	sadd.s32 @!p0 $0x100000, s2;
	[bflag:$0x2] =	sbarrier.arrive $0xFFFF  }
0x55: {  	[sflag:s0] =	ssyncadd.tile.s32 @!p0 $0x1;
	_ =	shalt  }
.Lfunc_end2:
_tile_overlayer_lowered:
.L_overlay_start_2:
0x56: {  	(tag) =	ssettag $0x2  }
0x57: {  	s0 =	rddreg [dreg:$0x0];
	s2 =	stileid.u32  }
0x58: {  	s1 =	rddreg [dreg:$0x1];
	p0 =	sne.s32 s2, $0x0  }
0x59: {  	s3 =	rddreg [dreg:$0x2];
	[bflag:$0x3] =	sbarrier.arrive $0xFFFF;
	s2 =	simm.s32 @!p0 $0x1C02  }
0x5a: {  	[timem:s3], [sflag:s2] =	dma.local @!p0 [hbm:s0], s1  }
0x5b: {  	s0 =	simm.s32 @!p0 $0x2  }
0x5c: {  	_ =	swait.ge @!p0 [sflag:s0], s1  }
0x5d: {  	s1 =	ssub.s32 @!p0 $0x0, s1;
	[sflag:s0] =	ssyncset.done @!p0 $0x0  }
0x5e: {  	[sflag:s0] =	ssyncadd.s32 @!p0 s1  }
0x5f: {  	[bflag:$0x3] =	sbarrier.arrive $0xFFFF  }
0x60: {  	_ =	shalt  }

// kernel: kernel.8.cloned.1.call-start
scs
__scs_entry_jumppad:
0x0: {  	(pc) =	sbr.rel $0x88, $3  }
0x1: {  	(tag) =	ssettag $0x0;
	lr =	simm.s32 $0x1  }
0x2: {  	[smem:$0x3F96] =	sst lr;
	_ =	strace $0xD0000000  }
0x3: {  	_ = 	snop  }
0x4: {  	_ = 	snop  }
0x5: {  	_ = 	snop  }
0x6: {  	_ = 	snop  }
0x7: {  	_ = 	snop  }
__scs_overlays_trampoline_lowered:
0x8: {  	[smem:$0x3FA5] =	sst s0  }
0x9: {  	[smem:$0x3FA6] =	sst s1  }
0xa: {  	[smem:$0x3FA7] =	sst s2  }
0xb: {  	[smem:$0x3FA8] =	sst s3  }
0xc: {  	[smem:$0x3FA9] =	sst s4  }
0xd: {  	[smem:$0x3FAA] =	sst s5  }
0xe: {  	[smem:$0x3FAB] =	sst s6  }
0xf: {  	[smem:$0x3FAC] =	sst s7  }
0x10: {  	[smem:$0x3FAD] =	sst s8  }
0x11: {  	[smem:$0x3FAE] =	sst s9;
	s0 =	simm.s32 @!p0 $0x0  }
0x12: {  	s1 =	sld [smem:$0x3F94];
	s0 =	simm.s32 @p0 $0x1  }
0x13: {  	[smem:$0x3FAF] =	sst s0;
	s0 =	simm.s32 @!p1 $0x0  }
0x14: {  	s2 =	sld [smem:$0x3F93];
	s0 =	simm.s32 @p1 $0x1  }
0x15: {  	[smem:$0x3FB0] =	sst s0;
	s0 =	simm.s32 @!p2 $0x0  }
0x16: {  	s3 =	sld [smem:$0x3FDB];
	s0 =	simm.s32 @p2 $0x1  }
0x17: {  	s4 =	simm.s32 $0x1BF5;
	[smem:$0x3FB2] =	sst s0  }
0x18: {  	s0 =	sld [smem:$0x3F95];
	_ =	swait.ge [sflag:s4], $0x0  }
0x19: {  	s7 =	sld [smem:$0x3F96]  }
0x1a: {  	s8 =	sadd.s32 $0xFFFFE003, lr  }
0x1b: {  	s9 =	sadd.s32 $0xFFFFFEF7, lr;
	s5 =	simm.s32 $0xFFFFFFFF;
	p2 =	slt.u32 s8, $0xFFFFF086  }
0x1c: {  	p1 =	slt.u32 s9, $0xF7A;
	s5 =	simm.s32 @!p2 $0x0  }
0x1d: {  	s5 =	simm.s32 @p1 $0x1;
	p0 =	seq.s32 s7, s2  }
0x1e: {  	s7 =	smul.u32 @!p0 $0xF7A, s2;
	p2 =	seq.s32 @!p0 s5, $0x0  }
0x1f: {  	s9 =	smul.u32 $0xF7A, s1;
	s8 =	simm.s32 @!p0 $0x1BF5;
	p2 =	por !p2, p0  }
0x20: {  	[sflag:s8] =	ssyncset.s32 @!p0 $0xFFFFF086;
	s6 =	sadd.s32 @!p0 s3, s7;
	s7 =	simm.s32 @!p0 $0x108  }
0x21: {  	s3 =	sadd.s32 s3, s9;
	s6 =	sadd.s32 @!p0 $0x88, s6;
	s7 =	simm.s32 @p2 $0x1082  }
0x22: {  	[simem:s7], [sflag:s8] =	dma.local @!p0 [hbm:s6], $0xF7A  }
0x23: {  	s9 =	sor.u32 $0xD0000000, s2;
	s6 =	simm.s32 $0x108;
	_ =	swait.ge @!p0 [sflag:s8], $0x0  }
0x24: {  	s3 =	sadd.s32 $0x88, s3;
	s6 =	simm.s32 @!p1 $0x1082;
	[sflag:s4] =	ssyncset.s32 $0xFFFFF086  }
0x25: {  	[simem:s6], [sflag:s4] =	dma.local [hbm:s3], $0xF7A  }
0x26: {  	[smem:$0x3F96] =	sst s1;
	(tag) =	ssettag s2;
	_ =	strace s9  }
0x27: {  	s1 =	sld [smem:$0x3FA6]  }
0x28: {  	s2 =	sld [smem:$0x3FA7]  }
0x29: {  	s4 =	sld [smem:$0x3FA9]  }
0x2a: {  	p0 =	seq.s32 s5, $0x0;
	s5 =	sld [smem:$0x3FAA]  }
0x2b: {  	s6 =	sld [smem:$0x3FAB]  }
0x2c: {  	s7 =	sld [smem:$0x3FAC]  }
0x2d: {  	s3 =	simm.s32 $0x108;
	s8 =	sld [smem:$0x3FAD]  }
0x2e: {  	s3 =	simm.s32 @!p0 $0x1082;
	s9 =	sld [smem:$0x3FAE]  }
0x2f: {  	lr =	sadd.s32 s0, s3;
	s0 =	sld [smem:$0x3FA5]  }
0x30: {  	s3 =	sld [smem:$0x3FA8]  }
0x31: {  	[smem:$0x3FB1] =	sst s10  }
0x32: {  	s10 =	sld [smem:$0x3FAF];
	_ =	sdelay $0x3  }
0x33: {  	p0 =	seq.s32 s10, $0x1;
	s10 =	sld [smem:$0x3FB1];
	_ =	sdelay $0x3  }
0x34: {  	[smem:$0x3FB1] =	sst s10  }
0x35: {  	s10 =	sld [smem:$0x3FB0];
	_ =	sdelay $0x3  }
0x36: {  	p1 =	seq.s32 s10, $0x1;
	s10 =	sld [smem:$0x3FB1];
	_ =	sdelay $0x3  }
0x37: {  	[smem:$0x3FB1] =	sst s10  }
0x38: {  	s10 =	sld [smem:$0x3FB2]  }
0x39: {  	_ = 	snop;
	(pc) =	sbr.ind lr, $3  }
0x3a: {  	_ = 	snop  }
0x3b: {  	_ = 	snop  }
0x3c: {  	p2 =	seq.s32 s10, $0x1;
	s10 =	sld [smem:$0x3FB1]  }
0x3d: {  	_ =	shalt  }
0x3e: {  	_ =	shalt  }
0x3f: {  	_ =	shalt  }
0x40: {  	_ =	shalt  }
0x41: {  	_ =	shalt  }
0x42: {  	_ =	shalt  }
0x43: {  	_ =	shalt  }
0x44: {  	_ =	shalt  }
0x45: {  	_ =	shalt  }
0x46: {  	_ =	shalt  }
0x47: {  	_ =	shalt  }
0x48: {  	_ =	shalt  }
0x49: {  	_ =	shalt  }
0x4a: {  	_ =	shalt  }
0x4b: {  	_ =	shalt  }
0x4c: {  	_ =	shalt  }
0x4d: {  	_ =	shalt  }
0x4e: {  	_ =	shalt  }
0x4f: {  	_ =	shalt  }
0x50: {  	_ =	shalt  }
0x51: {  	_ =	shalt  }
0x52: {  	_ =	shalt  }
0x53: {  	_ =	shalt  }
0x54: {  	_ =	shalt  }
0x55: {  	_ =	shalt  }
0x56: {  	_ =	shalt  }
0x57: {  	_ =	shalt  }
0x58: {  	_ =	shalt  }
0x59: {  	_ =	shalt  }
0x5a: {  	_ =	shalt  }
0x5b: {  	_ =	shalt  }
0x5c: {  	_ =	shalt  }
0x5d: {  	_ =	shalt  }
0x5e: {  	_ =	shalt  }
0x5f: {  	_ =	shalt  }
0x60: {  	_ =	shalt  }
0x61: {  	_ =	shalt  }
0x62: {  	_ =	shalt  }
0x63: {  	_ =	shalt  }
0x64: {  	_ =	shalt  }
0x65: {  	_ =	shalt  }
0x66: {  	_ =	shalt  }
0x67: {  	_ =	shalt  }
0x68: {  	_ =	shalt  }
0x69: {  	_ =	shalt  }
0x6a: {  	_ =	shalt  }
0x6b: {  	_ =	shalt  }
0x6c: {  	_ =	shalt  }
0x6d: {  	_ =	shalt  }
0x6e: {  	_ =	shalt  }
0x6f: {  	_ =	shalt  }
0x70: {  	_ =	shalt  }
0x71: {  	_ =	shalt  }
0x72: {  	_ =	shalt  }
0x73: {  	_ =	shalt  }
0x74: {  	_ =	shalt  }
0x75: {  	_ =	shalt  }
0x76: {  	_ =	shalt  }
0x77: {  	_ =	shalt  }
0x78: {  	_ =	shalt  }
0x79: {  	_ =	shalt  }
0x7a: {  	_ =	shalt  }
0x7b: {  	_ =	shalt  }
0x7c: {  	_ =	shalt  }
0x7d: {  	_ =	shalt  }
0x7e: {  	_ =	shalt  }
0x7f: {  	_ =	shalt  }
0x80: {  	_ =	shalt  }
0x81: {  	_ =	shalt  }
0x82: {  	_ =	shalt  }
0x83: {  	_ =	shalt  }
0x84: {  	_ =	shalt  }
0x85: {  	_ =	shalt  }
0x86: {  	_ =	shalt  }
0x87: {  	_ =	shalt  }
.Lfunc_end0:
.L_simem_size_0:
called_computation_lowered:
.L_overlay_start_0:
0x88: {  	s2 =	sld [smem:$0x3FD9]  }
0x89: {  	s3 =	sld [smem:$0x3FFE];
	_ =	sdelay $0x1  }
0x8a: {  	s1 =	srdreg.scid  }
0x8b: {  	s0 =	sand.u32 $0x1, s1  }
0x8c: {  	s17 =	sshll.u32 s0, $0xA;
	s2 =	sadd.s32 s3, s2  }
0x8d: {  	s2 =	sadd.s32 s2, s17  }
0x8e: {  	[smem:$0x3FBD] =	sst s2  }
0x8f: {  	_ = 	snop  }
0x90: {  	s2 =	sld [smem:$0x3FC9];
	(tm) =	ssettm $0x1  }
0x91: {  	s18 =	sld [smem:$0x3FFB];
	_ =	sdelay $0x3  }
0x92: {  	_ =	strace s18  }
0x93: {  	s3 =	sld [smem:$0x3FFC];
	_ =	sdelay $0x3  }
0x94: {  	_ =	strace s3  }
0x95: {  	s3 =	sld [smem:$0x3FFD];
	_ =	sdelay $0x3  }
0x96: {  	_ =	strace s3  }
0x97: {  	_ =	strace $0x8FFFFFFF  }
0x98: {  	s19 =	sld [smem:$0x3FDB];
	_ =	sdelay $0x1  }
0x99: {  	s4 =	simm.s32 $_scs_section_size  }
0x9a: {  	s5 =	simm.s32 $_size__tile_overlayer_lowered;
	s6 =	simm.s32 $_tile_overlayer_lowered  }
0x9b: {  	s22 =	simm.s32 $0x1BFF;
	s21 =	sshll.u32 s6, $0x1;
	s3 =	sadd.s32 s4, s19  }
0x9c: {  	s7 =	simm.s32 $0x0;
	s20 =	sshll.u32 s5, $0x1;
	s5 =	sadd.s32 s21, s3  }
0x9d: {  	[timem:s7], [sflag:s22] =	dma.local [hbm:s5], s20  }
0x9e: {  	_ =	swait.ge [sflag:s22], s20  }
0x9f: {  	s4 =	ssub.s32 $0x0, s20;
	[sflag:s22] =	ssyncset.done $0x0  }
0xa0: {  	[sflag:s22] =	ssyncadd.s32 s4;
	_ =	sdelay $0x1  }
0xa1: {  	s23 =	simm.s32 $0x1B8B  }
0xa2: {  	_ =	swait.ge [sflag:s23], $0x1  }
0xa3: {  	[sflag:s23] =	ssyncset.done $0x0  }
0xa4: {  	s25 =	simm.s32 $0x1B8E;
	s24 =	sld [smem:$0x3FFE];
	[sflag:s23] =	ssyncadd.s32 $0xFFFFFFFF  }
0xa5: {  	s26 =	simm.s32 $execute0_lowered;
	[smem:$0x3FD2] =	sst s25  }
0xa6: {  	s5 =	sshll.u32 s26, $0x1;
	_ =	strace $0x80000046;
	[dreg:$0x1] =	wrdreg $0xFFFFFFFF  }
0xa7: {  	s28 =	simm.s32 $_size_execute0_lowered;
	s3 =	sadd.s32 s3, s5;
	[dreg:$0x0] =	wrdreg $0x0  }
0xa8: {  	s5 =	sshll.u32 s28, $0x1;
	[dreg:$0x2] =	wrdreg s3  }
0xa9: {  	[dreg:$0x3] =	wrdreg s5  }
0xaa: {  	[dreg:$0x4] =	wrdreg $0xC0  }
0xab: {  	_ =	task [dreg:s7], $0x5FFFF  }
0xac: {  	[dreg:$0x1] =	wrdreg $0xFFFFFFFF  }
0xad: {  	[dreg:$0x0] =	wrdreg $0x60  }
0xae: {  	[dreg:$0x2] =	wrdreg s2  }
0xaf: {  	[dreg:$0x3] =	wrdreg s24  }
0xb0: {  	[dreg:$0x4] =	wrdreg $0x90000  }
0xb1: {  	[dreg:$0x5] =	wrdreg $0x9  }
0xb2: {  	_ =	task.clear_ibuf [dreg:s7], $0x6FFFF;
	_ =	strace $0x90000046  }
0xb3: {  	s29 =	simm.s32 $0x9;
	_ =	strace $0x80000048  }
0xb4: {  	_ =	swait.ge [sflag:s29], $0x1  }
0xb5: {  	[sflag:s29] =	ssyncadd.s32 $0xFFFFFFFF  }
0xb6: {  	_ =	strace $0x90000048  }
0xb7: {  	_ =	sfence  }
0xb8: {  	s30 =	sld [smem:$0x0];
	_ =	sdelay $0x2  }
0xb9: {  	s31 =	sshll.u32 s1, $0xD;
	s1 =	sshrl.u32 s1, $0x2  }
0xba: {  	s3 =	sand.u32 $0x4000, s31;
	s1 =	sadd.s32 s1, s30  }
0xbb: {  	s0 =	sor.u32 s3, s0;
	s1 =	sshll.u32 s1, $0x11  }
0xbc: {  	s0 =	sor.u32 s1, s0  }
0xbd: {  	s0 =	sadd.s32 $0x8F2B, s0  }
0xbe: {  	[sflag:s0] =	ssyncadd.remote.s32 $0x1  }
0xbf: {  	_ =	sfence.sel $0xFFFF  }
0xc0: {  	[dreg:$0x0] =	wrdreg $0xFFFFFFFF;
	(pc) =	sbr.abs _section_cstart, $3  }
0xc1: {  	[dreg:$0x1] =	wrdreg $0xFFFFFFFF  }
0xc2: {  	_ =	task.clear_ibuf [dreg:s7], $0x2FFFF;
	_ =	strace $0x9FFFFFFF  }
0xc3: {  	(tm) =	ssettm $0x7FFFFFFF  }
tec
execute0_lowered:
.L_overlay_start_1:
0x0: {  	(tag) =	ssettag $0x1  }
0x1: {  	s1 =	rddreg [dreg:$0x0]  }
0x2: {  	s6 =	rddreg [dreg:$0x1]  }
0x3: {  	s0 =	srdreg.scid;
	s3 =	rddreg [dreg:$0x2];
	s12 =	simm.s32 $0x2  }
0x4: {  	s13 =	simm.s32 $0x80;
	s14 =	simm.s32 $0x400;
	s5 =	sand.u32 $0x1, s0  }
0x5: {  	s15 =	simm.s32 $0x2800;
	s0 =	stileid.u32;
	s9 =	smul.u32 $0x140000, s5  }
0x6: {  	s16 =	simm.s32 $0x1;
	s2 =	sshll.u32 s5, $0x4;
	s24 =	smul.u32 $0x14000, s0  }
0x7: {  	s4 =	sshll.u32 s0, $0x7;
	s10 =	smul.u32 $0x50000, s0;
	s26 =	ssub.s32 $0x2, s5  }
0x8: {  	s17 =	sshll.u32 s0, $0x6;
	s2 =	sor.u32 s0, s2;
	s8 =	sand.u32 $0x380, s4  }
0x9: {  	s4 =	simm.s32 $0x0;
	s30 =	sshrl.u32 s26, $0x1;
	s2 =	sshrl.u32 s2, $0x3  }
0xa: {  	s17 =	sor.u32 $0x1C02, s17;
	[smem:$0x7FF] =	sst s4;
	s7 =	smul.u32 $0x14000, s2  }
0xb: {  	s25 =	sadd.s32 s24, s9;
	s28 =	sshrl.u32 s10, $0x2;
	s31 =	ssub.s32 s26, s30  }
0xc: {  	s2 =	rddreg [dreg:$0x3];
	_ =	strace $0x80000047;
	s7 =	sor.u32 s8, s7  }
0xd: {  	s5 =	sadd.s32 s28, s3;
	s10 =	smax.u32 s31, $0x1;
	s7 =	sshrl.u32 s7, $0x3  }
0xe: {  	s18 =	sshrl.u32 s5, $0x3;
	s11 =	sadd.s32 s7, s6;
	s7 =	sshrl.u32 s25, $0x3  }
0xf: {  	s29 =	sadd.s32 s7, s6;
	s6 =	sadd.s32 $0x4000, s5;
	s7 =	sadd.s32 $0x2600, s11  }
0x10: {  	v0 =	vimm.f32 $0.0e+00;
	s8 =	sadd.s32 $0xC600, s11;
	s11 =	simm.s32 $0x5000;
	s9 =	sadd.s32 $0x16600, s29  }
.LBB2_1:
0x11: {  	s19 =	simm.s32 $0x0;
	s20 =	simm.s32 $0x200  }
.LBB2_2:
0x12: {  	p0 =	sne.s32 s20, $0xFE00;
	[tilespmem:s19+$0x5070] =	vst v0  }
0x13: {  	[tilespmem:s19+$0x5000] =	vst v0  }
0x14: {  	[tilespmem:s19+$0x5010] =	vst v0  }
.Ltmp0:
0x15: {  	[tilespmem:s19+$0x5020] =	vst v0;
	(pc) =	sbr.rel @p0 .LBB2_2-.Ltmp0, $4  }
0x16: {  	[tilespmem:s19+$0x5030] =	vst v0  }
0x17: {  	[tilespmem:s19+$0x5040] =	vst v0  }
0x18: {  	[tilespmem:s19+$0x5050] =	vst v0  }
0x19: {  	[tilespmem:s19+$0x5060] =	vst v0;
	s19 =	sshra.s32 s20, $0x2;
	s20 =	sadd.s32 $0x200, s20  }
0x1a: {  	[tilespmem:s19+$0x5070] =	vst v0  }
0x1b: {  	[tilespmem:s19+$0x5000] =	vst v0  }
0x1c: {  	[tilespmem:s19+$0x5010] =	vst v0  }
0x1d: {  	[tilespmem:s19+$0x5020] =	vst v0  }
0x1e: {  	[tilespmem:s19+$0x5030] =	vst v0  }
0x1f: {  	[tilespmem:s19+$0x5040] =	vst v0  }
0x20: {  	[tilespmem:s19+$0x5050] =	vst v0  }
0x21: {  	[tilespmem:s19+$0x5060] =	vst v0  }
0x22: {  	[spmem:s5] =	stream.linear.scatter [tilespmem:s11], [sflag:$0x2], $0x4000, $0x38;
	[tilespmem:$0x1D000] =	vst v63  }
0x23: {  	_ =	swait.ge [sflag:s12], $0x4000  }
0x24: {  	[sflag:s12] =	ssyncset.done $0x0  }
0x25: {  	[sflag:s12] =	ssyncadd.s32 $0xFFFFC000  }
0x26: {  	[spmem:s6] =	stream.linear.scatter [tilespmem:s11], [sflag:$0x2], $0x10000, $0x38;
	[tilespmem:$0x1D000] =	vst v63  }
0x27: {  	_ =	swait.ge [sflag:s12], $0x10000  }
0x28: {  	[sflag:s12] =	ssyncset.done $0x0  }
0x29: {  	[sflag:s12] =	ssyncadd.s32 $0xFFFF0000  }
0x2a: {  	s29 =	simm.s32 $0x0;
	[bflag:$0x0] =	sbarrier.arrive $0xFFFF  }
0x2b: {  	[tilespmem:s29], [sflag:$0x2] =	stream.strided.gather [hbm4b:s7+s13], $0x2800, s14, s13, $0x38;
	[tilespmem:$0x1D000] =	vst v63  }
0x2c: {  	_ =	swait.ge [sflag:s12], $0x2800  }
0x2d: {  	[sflag:s12] =	ssyncset.done $0x0  }
0x2e: {  	[sflag:s12] =	ssyncadd.s32 $0xFFFFD800  }
0x2f: {  	[tilespmem:s15], [sflag:$0x2] =	stream.strided.gather [hbm4b:s8+s13], $0x2800, s14, s13, $0x38;
	[tilespmem:$0x1D000] =	vst v63  }
0x30: {  	_ =	swait.ge [sflag:s12], $0x2800  }
0x31: {  	[sflag:s12] =	ssyncset.done $0x0  }
0x32: {  	s30 =	simm.s32 $0x0;
	[sflag:s12] =	ssyncadd.s32 $0xFFFFD800  }
0x33: {  	[tilespmem:s11], [sflag:$0x1] =	stream.indirect.gather [hbm4b:s1+s13], $0x80, s30, s13, $0xb8;
	[tilespmem:$0x1D000] =	vst v63  }
0x34: {  	_ =	swait.ge [sflag:s16], $0x4000  }
0x35: {  	[sflag:s16] =	ssyncset.done $0x0  }
0x36: {  	s31 =	simm.s32 $0x2800;
	[sflag:s16] =	ssyncadd.s32 $0xFFFFC000  }
0x37: {  	[spmem:s3] =	stream.indirect.scatter.add.f32 [tilespmem:s11], [sflag:$0x2], $0x80, s31, s13, $0xb8;
	[tilespmem:$0x1D000] =	vst v63  }
0x38: {  	_ =	swait.ge [sflag:s12], $0x4000  }
0x39: {  	s19 =	simm.s32 $0x200;
	s20 =	simm.s32 $0x400;
	[sflag:s12] =	ssyncset.done $0x0  }
.LBB2_4:
0x3a: {  	s21 =	sshra.s32 s19, $0x2  }
0x3b: {  	[sflag:s12] =	ssyncadd.s32 $0xFFFFC000;
	s19 =	smov.u32 s20;
	s22 =	sadd.s32 $0x200, s20  }
0x3c: {  	[tilespmem:s11], [sflag:$0x1] =	stream.indirect.gather [hbm4b:s1+s13], $0x80, s21, s13, $0xb8;
	[tilespmem:$0x1D000] =	vst v63  }
0x3d: {  	p0 =	sne.s32 s20, $0x9E00;
	_ =	swait.ge [sflag:s16], $0x4000  }
.Ltmp1:
0x3e: {  	[sflag:s16] =	ssyncset.done $0x0;
	(pc) =	sbr.rel @p0 .LBB2_4-.Ltmp1, $4  }
0x3f: {  	s20 =	sadd.s32 $0x2800, s21;
	[sflag:s16] =	ssyncadd.s32 $0xFFFFC000  }
0x40: {  	[spmem:s3] =	stream.indirect.scatter.add.f32 [tilespmem:s11], [sflag:$0x2], $0x80, s20, s13, $0xb8;
	[tilespmem:$0x1D000] =	vst v63  }
0x41: {  	_ =	swait.ge [sflag:s12], $0x4000  }
0x42: {  	s20 =	smov.u32 s22;
	[sflag:s12] =	ssyncset.done $0x0  }
0x43: {  	s19 =	sshra.s32 s19, $0x2;
	[sflag:s12] =	ssyncadd.s32 $0xFFFFC000  }
0x44: {  	[tilespmem:s11], [sflag:$0x1] =	stream.indirect.gather [hbm4b:s1+s13], $0x80, s19, s13, $0xb8;
	[tilespmem:$0x1D000] =	vst v63  }
0x45: {  	_ =	swait.ge [sflag:s16], $0x4000  }
0x46: {  	[sflag:s16] =	ssyncset.done $0x0  }
0x47: {  	s19 =	sadd.s32 $0x2800, s19;
	[sflag:s16] =	ssyncadd.s32 $0xFFFFC000  }
0x48: {  	[spmem:s3] =	stream.indirect.scatter.add.f32 [tilespmem:s11], [sflag:$0x2], $0x80, s19, s13, $0xb8;
	[tilespmem:$0x1D000] =	vst v63  }
0x49: {  	_ =	swait.ge [sflag:s12], $0x4000  }
0x4a: {  	s4 =	sadd.s32 $0x1, s4;
	[sflag:s12] =	ssyncset.done $0x0  }
0x4b: {  	p0 =	sne.s32 s4, s10;
	[sflag:s12] =	ssyncadd.s32 $0xFFFFC000  }
.Ltmp2:
0x4c: {  	[bflag:$0x0] =	sbarrier.arrive $0xFFFF;
	(pc) =	sbr.rel @p0 .LBB2_1-.Ltmp2, $4  }
0x4d: {  	[hbm:s9], [sflag:s17] =	dma.local [spmem:s18], $0x2800  }
0x4e: {  	_ =	swait.ge [sflag:s12], $0x2800  }
0x4f: {  	[sflag:s12] =	ssyncset.done $0x0  }
0x50: {  	[sflag:s12] =	ssyncadd.s32 $0xFFFFD800  }
0x51: {  	_ =	sfence.sel $0x180000  }
0x52: {  	[bflag:$0x0] =	sbarrier.arrive $0xFFFF  }
0x53: {  	p0 =	sne.s32 s0, $0x0;
	_ =	strace $0x90000047  }
0x54: {  	s0 =	sadd.s32 @!p0 $0x100000, s2;
	[bflag:$0x2] =	sbarrier.arrive $0xFFFF  }
0x55: {  	[sflag:s0] =	ssyncadd.tile.s32 @!p0 $0x1;
	_ =	shalt  }
.Lfunc_end2:
_tile_overlayer_lowered:
.L_overlay_start_2:
0x56: {  	(tag) =	ssettag $0x2  }
0x57: {  	s0 =	rddreg [dreg:$0x0];
	s2 =	stileid.u32  }
0x58: {  	s1 =	rddreg [dreg:$0x1];
	p0 =	sne.s32 s2, $0x0  }
0x59: {  	s3 =	rddreg [dreg:$0x2];
	[bflag:$0x3] =	sbarrier.arrive $0xFFFF;
	s2 =	simm.s32 @!p0 $0x1C02  }
0x5a: {  	[timem:s3], [sflag:s2] =	dma.local @!p0 [hbm:s0], s1  }
0x5b: {  	s0 =	simm.s32 @!p0 $0x2  }
0x5c: {  	_ =	swait.ge @!p0 [sflag:s0], s1  }
0x5d: {  	s1 =	ssub.s32 @!p0 $0x0, s1;
	[sflag:s0] =	ssyncset.done @!p0 $0x0  }
0x5e: {  	[sflag:s0] =	ssyncadd.s32 @!p0 s1  }
0x5f: {  	[bflag:$0x3] =	sbarrier.arrive $0xFFFF  }
0x60: {  	_ =	shalt  }

</sc_bundles>
